<compile_context>
chip_gen: v7x
topology: tpu7x:2x2x1
jax: 0.10.2.dev20260603
libtpu: 0.0.44.dev20260713+nightly
codegen_flags: <defaults>
</compile_context>

<pallas_src>
import functools

import jax
import jax.numpy as jnp
from jax import lax
from jax.experimental import pallas as pl
from jax.experimental.pallas import tpu as pltpu, tpu_sc as plsc

N = 10000
E = 320000
D_IN = 128
D_OUT = 40
DP = 48
NPAD = 10240
NW = 32
CH = 128
NCH = 80
EPT = CH * NCH
EPAD = NW * EPT
RPT = NPAD // 16

_mesh = plsc.VectorSubcoreMesh(core_axis_name="c", subcore_axis_name="s")


@functools.partial(
    pl.kernel,
    mesh=_mesh,
    out_type=jax.ShapeDtypeStruct((2, NPAD), jnp.float32),
    scratch_types=[
        pltpu.VMEM_SHARED((NPAD,), jnp.float32),
        pltpu.VMEM((CH,), jnp.int32),
        pltpu.VMEM((CH,), jnp.float32),
    ],
    compiler_params=pltpu.CompilerParams(use_tc_tiling_on_sc=False),
)
def _deg_kernel(col3_hbm, zeros_hbm, ones_hbm, out_hbm, acc_sh, colc_v, ones_v):
    c = lax.axis_index("c")
    s = lax.axis_index("s")
    wid = c * 16 + s
    pltpu.sync_copy(zeros_hbm, acc_sh.at[pl.ds(s * RPT, RPT)])
    pltpu.sync_copy(ones_hbm, ones_v)
    plsc.subcore_barrier()

    def body(i, carry):
        pltpu.sync_copy(col3_hbm.at[wid, i], colc_v)
        pltpu.sync_copy(ones_v, acc_sh.at[colc_v], add=True)
        return carry

    lax.fori_loop(0, NCH, body, 0)
    plsc.subcore_barrier()
    pltpu.sync_copy(acc_sh.at[pl.ds(s * RPT, RPT)],
                    out_hbm.at[c, pl.ds(s * RPT, RPT)])


@functools.partial(
    pl.kernel,
    mesh=_mesh,
    out_type=jax.ShapeDtypeStruct((2, NPAD, DP), jnp.float32),
    scratch_types=[
        pltpu.VMEM_SHARED((NPAD, DP), jnp.float32),
        pltpu.VMEM((CH,), jnp.int32),
        pltpu.VMEM((CH,), jnp.int32),
        pltpu.VMEM((CH, DP), jnp.float32),
        pltpu.SemaphoreType.DMA,
    ],
    compiler_params=pltpu.CompilerParams(use_tc_tiling_on_sc=False),
)
def _hop_kernel(g_hbm, row3_hbm, col3_hbm, zeros_hbm, out_hbm,
                acc_sh, rowc_v, colc_v, rows_v, sem):
    c = lax.axis_index("c")
    s = lax.axis_index("s")
    wid = c * 16 + s
    pltpu.sync_copy(zeros_hbm, acc_sh.at[pl.ds(s * RPT, RPT)])
    plsc.subcore_barrier()

    def body(i, carry):
        pltpu.sync_copy(row3_hbm.at[wid, i], rowc_v)
        pltpu.sync_copy(col3_hbm.at[wid, i], colc_v)
        pltpu.async_copy(g_hbm.at[rowc_v], rows_v, sem).wait()
        pltpu.sync_copy(rows_v, acc_sh.at[colc_v], add=True)
        return carry

    lax.fori_loop(0, NCH, body, 0)
    plsc.subcore_barrier()
    pltpu.sync_copy(acc_sh.at[pl.ds(s * RPT, RPT)],
                    out_hbm.at[c, pl.ds(s * RPT, RPT)])


def _mm_body(x_ref, w_ref, dp_ref, g0_ref, dinv_ref):
    deg = dp_ref[0] + dp_ref[1] + 1.0
    dinv = lax.rsqrt(deg)
    xw = jnp.dot(x_ref[...], w_ref[...], preferred_element_type=jnp.float32)
    g0_ref[...] = xw * dinv
    dinv_ref[...] = dinv


def _mid_body(p_ref, g0_ref, dinv_ref, g1_ref):
    dinv = dinv_ref[...]
    g1_ref[...] = (p_ref[0] + p_ref[1] + g0_ref[...]) * (dinv * dinv)


def _out_body(p_ref, g1_ref, dinv_ref, b_ref, o_ref):
    res = (p_ref[0] + p_ref[1] + g1_ref[...]) * dinv_ref[...]
    o_ref[...] = res[:, :D_OUT] + b_ref[...]


def kernel(x, edge_index, W, b):
    f32 = jnp.float32
    row = edge_index[0].astype(jnp.int32)
    col = edge_index[1].astype(jnp.int32)
    pad = jnp.full((EPAD - E,), N, jnp.int32)
    row3 = jnp.concatenate([row, pad]).reshape(NW, NCH, CH)
    col3 = jnp.concatenate([col, pad]).reshape(NW, NCH, CH)
    W48 = jnp.pad(W.astype(f32), ((0, 0), (0, DP - D_OUT)))
    zeros_deg = jnp.zeros((RPT,), f32)
    ones_ch = jnp.ones((CH,), f32)
    zeros_rows = jnp.zeros((RPT, DP), f32)

    degparts = _deg_kernel(col3, zeros_deg, ones_ch)
    degparts = degparts.reshape(2, NPAD, 1)

    BLK = 640
    g0, dinv = pl.pallas_call(
        _mm_body,
        grid=(NPAD // BLK,),
        in_specs=[
            pl.BlockSpec((BLK, D_IN), lambda i: (i, 0)),
            pl.BlockSpec((D_IN, DP), lambda i: (0, 0)),
            pl.BlockSpec((2, BLK, 1), lambda i: (0, i, 0)),
        ],
        out_specs=[
            pl.BlockSpec((BLK, DP), lambda i: (i, 0)),
            pl.BlockSpec((BLK, 1), lambda i: (i, 0)),
        ],
        out_shape=[
            jax.ShapeDtypeStruct((NPAD, DP), f32),
            jax.ShapeDtypeStruct((NPAD, 1), f32),
        ],
    )(x, W48, degparts)

    a0 = _hop_kernel(g0, row3, col3, zeros_rows)

    g1 = pl.pallas_call(
        _mid_body,
        grid=(NPAD // BLK,),
        in_specs=[
            pl.BlockSpec((2, BLK, DP), lambda i: (0, i, 0)),
            pl.BlockSpec((BLK, DP), lambda i: (i, 0)),
            pl.BlockSpec((BLK, 1), lambda i: (i, 0)),
        ],
        out_specs=pl.BlockSpec((BLK, DP), lambda i: (i, 0)),
        out_shape=jax.ShapeDtypeStruct((NPAD, DP), f32),
    )(a0, g0, dinv)

    a1 = _hop_kernel(g1, row3, col3, zeros_rows)

    OBLK = 1000
    b2 = b.astype(f32).reshape(1, D_OUT)
    out = pl.pallas_call(
        _out_body,
        grid=(N // OBLK,),
        in_specs=[
            pl.BlockSpec((2, OBLK, DP), lambda i: (0, i, 0)),
            pl.BlockSpec((OBLK, DP), lambda i: (i, 0)),
            pl.BlockSpec((OBLK, 1), lambda i: (i, 0)),
            pl.BlockSpec((1, D_OUT), lambda i: (0, 0)),
        ],
        out_specs=pl.BlockSpec((OBLK, D_OUT), lambda i: (i, 0)),
        out_shape=jax.ShapeDtypeStruct((N, D_OUT), f32),
    )(a1, g1, dinv, b2)
    return out

# --- scband reference (transcript-rebuilt; emitter-appended) ---
"""Pipeline reference for scband-tricks-comb-67061619360371 (READ-ONLY COPY).

The authoritative reference and input builder live on the scoring server;
editing this copy changes nothing except your own understanding.
"""

import jax, jax.numpy as jnp
import numpy as np

N_NODES = 10000
N_EDGES = 320000
D_FEAT = 128
N_CLASSES = 40
NUM_LAYERS = 2


def setup_inputs(seed: int = 0) -> dict:
    key = jax.random.key(seed)
    k1, k2, k3, k4 = jax.random.split(key, 4)
    x = jax.random.normal(k1, (N_NODES, D_FEAT), dtype=jnp.float32)
    edge_index = jax.random.randint(k2, (2, N_EDGES), 0, N_NODES, dtype=jnp.int64)
    # final MLP layer: Linear(num_feats, num_classes); (type_trick='None' so only
    # SGConv.propagate hops + final linear are active; SGConv.lin is never applied
    # in forward since propagate() is called directly)
    W = jax.random.normal(k3, (D_FEAT, N_CLASSES), dtype=jnp.float32) * 0.05
    b = jax.random.normal(k4, (N_CLASSES,), dtype=jnp.float32) * 0.05
    return {"x": x, "edge_index": edge_index, "W": W, "b": b}


def reference(x, edge_index, W, b):
    # Eval mode: feature dropout and graph dropout tricks are identity.
    # DropoutTrick with adj_norm=True produces GCN-normalized (edge_index, edge_weight)
    # per layer (same every layer when no DropEdge/DropNode/FastGCN/LADIES).
    N = x.shape[0]
    row = edge_index[0]
    col = edge_index[1]
    loop = jnp.arange(N, dtype=edge_index.dtype)
    row = jnp.concatenate([row, loop])
    col = jnp.concatenate([col, loop])
    ew = jnp.ones(row.shape[0], dtype=x.dtype)
    deg = jnp.zeros((N,), dtype=x.dtype).at[col].add(ew)
    dinv = jnp.where(deg > 0, jax.lax.rsqrt(jnp.maximum(deg, 1e-12)), 0.0)
    w = dinv[row] * ew * dinv[col]
    h = x
    for _ in range(NUM_LAYERS):
        # SGConv.propagate (source_to_target): out[dst] += edge_weight * h[src]
        msg = w[:, None] * h[row]
        h = jnp.zeros_like(h).at[col].add(msg)
    # final MLP: Linear(num_feats, num_classes)
    out = h @ W + b
    return out

if __name__ == "__main__":
    import jax
    _d = setup_inputs()
    print(jax.jit(kernel)(*tuple(_d.values())))

</pallas_src>

<mosaic_0001>
#map = affine_map<(d0, d1) -> (0, 0, 0)>
#map1 = affine_map<(d0, d1) -> (0)>
#map2 = affine_map<(d0, d1) -> (0, 0)>
module attributes {stable_mosaic.version = 14 : i64} {
  func.func @_deg_kernel(%arg0: i32, %arg1: i32, %arg2: memref<32x80x128xi32, #tpu.memory_space<hbm>>, %arg3: memref<640xf32, #tpu.memory_space<hbm>>, %arg4: memref<128xf32, #tpu.memory_space<hbm>>, %arg5: memref<2x10240xf32, #tpu.memory_space<hbm>>, %arg6: memref<10240xf32, #tpu.memory_space<vmem_shared>>, %arg7: memref<128xi32, #tpu.memory_space<vmem>>, %arg8: memref<128xf32, #tpu.memory_space<vmem>>) attributes {dimension_semantics = [#tpu.dimension_semantics<core_parallel>, #tpu.dimension_semantics<subcore_parallel>], iteration_bounds = array<i64: 2, 16>, scalar_prefetch = 0 : i64, scratch_operands = 3 : i64, tpu.core_type = #tpu.core_type<sc_vector_subcore>, window_params = [{transform_indices = #map}, {transform_indices = #map1}, {transform_indices = #map1}, {transform_indices = #map2}]} {
    %mul3A = arith.constant 16 : i32
    %mul3A_0 = arith.muli %arg0, %mul3A : i32
    %add3A = arith.addi %mul3A_0, %arg1 : i32
    %mul3A_1 = arith.constant 640 : i32
    %mul3A_2 = arith.muli %arg1, %mul3A_1 : i32
    "tpu.region"() ({
      %run_scoped3A = tpu.sem_alloc : memref<!tpu.dma_semaphore, #tpu.memory_space<semaphore_mem>>
      %dma_start3A = tpu.memref_slice %arg6[%mul3A_2] : memref<10240xf32, #tpu.memory_space<vmem_shared>> -> memref<640xf32, #tpu.memory_space<vmem_shared>>
      tpu.enqueue_dma source(%arg3 : memref<640xf32, #tpu.memory_space<hbm>>) target(%dma_start3A : memref<640xf32, #tpu.memory_space<vmem_shared>>) target_semaphore(%run_scoped3A : memref<!tpu.dma_semaphore, #tpu.memory_space<semaphore_mem>>)
      %dma_wait3A = tpu.memref_slice %arg6[%mul3A_2] : memref<10240xf32, #tpu.memory_space<vmem_shared>> -> memref<640xf32, #tpu.memory_space<vmem_shared>>
      tpu.wait_dma2 semaphore(%run_scoped3A : memref<!tpu.dma_semaphore, #tpu.memory_space<semaphore_mem>>) src(%arg3 : memref<640xf32, #tpu.memory_space<hbm>>) dst(%dma_wait3A : memref<640xf32, #tpu.memory_space<vmem_shared>>)
      tpu.yield
    }) : () -> ()
    "tpu.region"() ({
      %run_scoped3A = tpu.sem_alloc : memref<!tpu.dma_semaphore, #tpu.memory_space<semaphore_mem>>
      tpu.enqueue_dma source(%arg4 : memref<128xf32, #tpu.memory_space<hbm>>) target(%arg8 : memref<128xf32, #tpu.memory_space<vmem>>) target_semaphore(%run_scoped3A : memref<!tpu.dma_semaphore, #tpu.memory_space<semaphore_mem>>)
      tpu.wait_dma2 semaphore(%run_scoped3A : memref<!tpu.dma_semaphore, #tpu.memory_space<semaphore_mem>>) src(%arg4 : memref<128xf32, #tpu.memory_space<hbm>>) dst(%arg8 : memref<128xf32, #tpu.memory_space<vmem>>)
      tpu.yield
    }) : () -> ()
    %barrier3A = arith.constant 0 : index
    tpu.barrier barrier_id(%barrier3A)
    %scan3A = arith.constant 0 : i32
    %scan3A_3 = arith.constant 0 : i32
    %scan3A_4 = arith.constant 80 : i32
    %scan3A_5 = arith.addi %scan3A_3, %scan3A_4 : i32
    %scan3A_6 = arith.constant 1 : i32
    scf.for %scan3A_13 = %scan3A_3 to %scan3A_5 step %scan3A_6  : i32 {
      "tpu.region"() ({
        %run_scoped3A = tpu.sem_alloc : memref<!tpu.dma_semaphore, #tpu.memory_space<semaphore_mem>>
        %dma_start3A = arith.constant 0 : i32
        %dma_start3A_14 = tpu.memref_slice %arg2[%add3A, %scan3A_13, %dma_start3A] : memref<32x80x128xi32, #tpu.memory_space<hbm>> -> memref<1x1x128xi32, #tpu.memory_space<hbm>>
        %dma_start3A_15 = tpu.memref_squeeze %dma_start3A_14 : memref<1x1x128xi32, #tpu.memory_space<hbm>> -> memref<128xi32, #tpu.memory_space<hbm>>
        %dma_start3A_16 = arith.constant 0 : i32
        %dma_start3A_17 = tpu.memref_slice %arg2[%add3A, %scan3A_13, %dma_start3A_16] : memref<32x80x128xi32, #tpu.memory_space<hbm>> -> memref<1x1x128xi32, #tpu.memory_space<hbm>>
        %dma_start3A_18 = tpu.memref_squeeze %dma_start3A_17 : memref<1x1x128xi32, #tpu.memory_space<hbm>> -> memref<128xi32, #tpu.memory_space<hbm>>
        tpu.enqueue_dma source(%dma_start3A_18 : memref<128xi32, #tpu.memory_space<hbm>>) target(%arg7 : memref<128xi32, #tpu.memory_space<vmem>>) target_semaphore(%run_scoped3A : memref<!tpu.dma_semaphore, #tpu.memory_space<semaphore_mem>>)
        %dma_wait3A = arith.constant 0 : i32
        %dma_wait3A_19 = tpu.memref_slice %arg2[%add3A, %scan3A_13, %dma_wait3A] : memref<32x80x128xi32, #tpu.memory_space<hbm>> -> memref<1x1x128xi32, #tpu.memory_space<hbm>>
        %dma_wait3A_20 = tpu.memref_squeeze %dma_wait3A_19 : memref<1x1x128xi32, #tpu.memory_space<hbm>> -> memref<128xi32, #tpu.memory_space<hbm>>
        %dma_wait3A_21 = arith.constant 0 : i32
        %dma_wait3A_22 = tpu.memref_slice %arg2[%add3A, %scan3A_13, %dma_wait3A_21] : memref<32x80x128xi32, #tpu.memory_space<hbm>> -> memref<1x1x128xi32, #tpu.memory_space<hbm>>
        %dma_wait3A_23 = tpu.memref_squeeze %dma_wait3A_22 : memref<1x1x128xi32, #tpu.memory_space<hbm>> -> memref<128xi32, #tpu.memory_space<hbm>>
        tpu.wait_dma2 semaphore(%run_scoped3A : memref<!tpu.dma_semaphore, #tpu.memory_space<semaphore_mem>>) src(%dma_wait3A_23 : memref<128xi32, #tpu.memory_space<hbm>>) dst(%arg7 : memref<128xi32, #tpu.memory_space<vmem>>)
        tpu.yield
      }) : () -> ()
      "tpu.region"() ({
        %run_scoped3A = tpu.sem_alloc : memref<!tpu.dma_semaphore, #tpu.memory_space<semaphore_mem>>
        %dma_start3A = arith.constant 0 : i32
        %dma_start3A_14 = tpu.memref_slice %arg6[%dma_start3A] : memref<10240xf32, #tpu.memory_space<vmem_shared>> -> memref<10240xf32, #tpu.memory_space<vmem_shared>>
        tpu.enqueue_indirect_dma source(%arg8 : memref<128xf32, #tpu.memory_space<vmem>>) target(%dma_start3A_14 : memref<10240xf32, #tpu.memory_space<vmem_shared>>) offsets(%arg7 : memref<128xi32, #tpu.memory_space<vmem>>) semaphore(%run_scoped3A : memref<!tpu.dma_semaphore, #tpu.memory_space<semaphore_mem>>) {add = true}
        %dma_wait3A = arith.constant 0 : i32
        %dma_wait3A_15 = tpu.memref_slice %arg6[%dma_wait3A] : memref<10240xf32, #tpu.memory_space<vmem_shared>> -> memref<10240xf32, #tpu.memory_space<vmem_shared>>
        tpu.wait_indirect_dma semaphore(%run_scoped3A : memref<!tpu.dma_semaphore, #tpu.memory_space<semaphore_mem>>) src(%arg8 : memref<128xf32, #tpu.memory_space<vmem>>) dst(%dma_wait3A_15 : memref<10240xf32, #tpu.memory_space<vmem_shared>>)
        tpu.yield
      }) : () -> ()
    }
    %scan3A_7 = arith.constant 80 : i32
    %barrier3A_8 = arith.constant 0 : index
    tpu.barrier barrier_id(%barrier3A_8)
    %mul3A_9 = arith.constant 640 : i32
    %mul3A_10 = arith.muli %arg1, %mul3A_9 : i32
    %mul3A_11 = arith.constant 640 : i32
    %mul3A_12 = arith.muli %arg1, %mul3A_11 : i32
    "tpu.region"() ({
      %run_scoped3A = tpu.sem_alloc : memref<!tpu.dma_semaphore, #tpu.memory_space<semaphore_mem>>
      %dma_start3A = tpu.memref_slice %arg5[%arg0, %mul3A_12] : memref<2x10240xf32, #tpu.memory_space<hbm>> -> memref<1x640xf32, #tpu.memory_space<hbm>>
      %dma_start3A_13 = tpu.memref_squeeze %dma_start3A : memref<1x640xf32, #tpu.memory_space<hbm>> -> memref<640xf32, #tpu.memory_space<hbm>>
      %dma_start3A_14 = tpu.memref_slice %arg6[%mul3A_10] : memref<10240xf32, #tpu.memory_space<vmem_shared>> -> memref<640xf32, #tpu.memory_space<vmem_shared>>
      tpu.enqueue_dma source(%dma_start3A_14 : memref<640xf32, #tpu.memory_space<vmem_shared>>) target(%dma_start3A_13 : memref<640xf32, #tpu.memory_space<hbm>>) target_semaphore(%run_scoped3A : memref<!tpu.dma_semaphore, #tpu.memory_space<semaphore_mem>>)
      %dma_wait3A = tpu.memref_slice %arg5[%arg0, %mul3A_12] : memref<2x10240xf32, #tpu.memory_space<hbm>> -> memref<1x640xf32, #tpu.memory_space<hbm>>
      %dma_wait3A_15 = tpu.memref_squeeze %dma_wait3A : memref<1x640xf32, #tpu.memory_space<hbm>> -> memref<640xf32, #tpu.memory_space<hbm>>
      %dma_wait3A_16 = tpu.memref_slice %arg6[%mul3A_10] : memref<10240xf32, #tpu.memory_space<vmem_shared>> -> memref<640xf32, #tpu.memory_space<vmem_shared>>
      tpu.wait_dma2 semaphore(%run_scoped3A : memref<!tpu.dma_semaphore, #tpu.memory_space<semaphore_mem>>) src(%dma_wait3A_16 : memref<640xf32, #tpu.memory_space<vmem_shared>>) dst(%dma_wait3A_15 : memref<640xf32, #tpu.memory_space<hbm>>)
      tpu.yield
    }) : () -> ()
    return
  }
}

#map = affine_map<(d0, d1) -> (0, 0)>
#map1 = affine_map<(d0, d1) -> (0, 0, 0)>
module attributes {stable_mosaic.version = 14 : i64} {
  func.func @_hop_kernel(%arg0: i32, %arg1: i32, %arg2: memref<10240x48xf32, #tpu.memory_space<hbm>>, %arg3: memref<32x80x128xi32, #tpu.memory_space<hbm>>, %arg4: memref<32x80x128xi32, #tpu.memory_space<hbm>>, %arg5: memref<640x48xf32, #tpu.memory_space<hbm>>, %arg6: memref<2x10240x48xf32, #tpu.memory_space<hbm>>, %arg7: memref<10240x48xf32, #tpu.memory_space<vmem_shared>>, %arg8: memref<128xi32, #tpu.memory_space<vmem>>, %arg9: memref<128xi32, #tpu.memory_space<vmem>>, %arg10: memref<128x48xf32, #tpu.memory_space<vmem>>, %arg11: memref<!tpu.dma_semaphore, #tpu.memory_space<semaphore_mem>>) attributes {dimension_semantics = [#tpu.dimension_semantics<core_parallel>, #tpu.dimension_semantics<subcore_parallel>], iteration_bounds = array<i64: 2, 16>, scalar_prefetch = 0 : i64, scratch_operands = 5 : i64, tpu.core_type = #tpu.core_type<sc_vector_subcore>, window_params = [{transform_indices = #map}, {transform_indices = #map1}, {transform_indices = #map1}, {transform_indices = #map}, {transform_indices = #map1}]} {
    %mul3A = arith.constant 16 : i32
    %mul3A_0 = arith.muli %arg0, %mul3A : i32
    %add3A = arith.addi %mul3A_0, %arg1 : i32
    %mul3A_1 = arith.constant 640 : i32
    %mul3A_2 = arith.muli %arg1, %mul3A_1 : i32
    "tpu.region"() ({
      %run_scoped3A = tpu.sem_alloc : memref<!tpu.dma_semaphore, #tpu.memory_space<semaphore_mem>>
      %dma_start3A = arith.constant 0 : i32
      %dma_start3A_13 = tpu.memref_slice %arg7[%mul3A_2, %dma_start3A] : memref<10240x48xf32, #tpu.memory_space<vmem_shared>> -> memref<640x48xf32, #tpu.memory_space<vmem_shared>>
      tpu.enqueue_dma source(%arg5 : memref<640x48xf32, #tpu.memory_space<hbm>>) target(%dma_start3A_13 : memref<640x48xf32, #tpu.memory_space<vmem_shared>>) target_semaphore(%run_scoped3A : memref<!tpu.dma_semaphore, #tpu.memory_space<semaphore_mem>>)
      %dma_wait3A = arith.constant 0 : i32
      %dma_wait3A_14 = tpu.memref_slice %arg7[%mul3A_2, %dma_wait3A] : memref<10240x48xf32, #tpu.memory_space<vmem_shared>> -> memref<640x48xf32, #tpu.memory_space<vmem_shared>>
      tpu.wait_dma2 semaphore(%run_scoped3A : memref<!tpu.dma_semaphore, #tpu.memory_space<semaphore_mem>>) src(%arg5 : memref<640x48xf32, #tpu.memory_space<hbm>>) dst(%dma_wait3A_14 : memref<640x48xf32, #tpu.memory_space<vmem_shared>>)
      tpu.yield
    }) : () -> ()
    %barrier3A = arith.constant 0 : index
    tpu.barrier barrier_id(%barrier3A)
    %scan3A = arith.constant 0 : i32
    %scan3A_3 = arith.constant 0 : i32
    %scan3A_4 = arith.constant 80 : i32
    %scan3A_5 = arith.addi %scan3A_3, %scan3A_4 : i32
    %scan3A_6 = arith.constant 1 : i32
    scf.for %scan3A_13 = %scan3A_3 to %scan3A_5 step %scan3A_6  : i32 {
      "tpu.region"() ({
        %run_scoped3A = tpu.sem_alloc : memref<!tpu.dma_semaphore, #tpu.memory_space<semaphore_mem>>
        %dma_start3A_18 = arith.constant 0 : i32
        %dma_start3A_19 = tpu.memref_slice %arg3[%add3A, %scan3A_13, %dma_start3A_18] : memref<32x80x128xi32, #tpu.memory_space<hbm>> -> memref<1x1x128xi32, #tpu.memory_space<hbm>>
        %dma_start3A_20 = tpu.memref_squeeze %dma_start3A_19 : memref<1x1x128xi32, #tpu.memory_space<hbm>> -> memref<128xi32, #tpu.memory_space<hbm>>
        %dma_start3A_21 = arith.constant 0 : i32
        %dma_start3A_22 = tpu.memref_slice %arg3[%add3A, %scan3A_13, %dma_start3A_21] : memref<32x80x128xi32, #tpu.memory_space<hbm>> -> memref<1x1x128xi32, #tpu.memory_space<hbm>>
        %dma_start3A_23 = tpu.memref_squeeze %dma_start3A_22 : memref<1x1x128xi32, #tpu.memory_space<hbm>> -> memref<128xi32, #tpu.memory_space<hbm>>
        tpu.enqueue_dma source(%dma_start3A_23 : memref<128xi32, #tpu.memory_space<hbm>>) target(%arg8 : memref<128xi32, #tpu.memory_space<vmem>>) target_semaphore(%run_scoped3A : memref<!tpu.dma_semaphore, #tpu.memory_space<semaphore_mem>>)
        %dma_wait3A_24 = arith.constant 0 : i32
        %dma_wait3A_25 = tpu.memref_slice %arg3[%add3A, %scan3A_13, %dma_wait3A_24] : memref<32x80x128xi32, #tpu.memory_space<hbm>> -> memref<1x1x128xi32, #tpu.memory_space<hbm>>
        %dma_wait3A_26 = tpu.memref_squeeze %dma_wait3A_25 : memref<1x1x128xi32, #tpu.memory_space<hbm>> -> memref<128xi32, #tpu.memory_space<hbm>>
        %dma_wait3A_27 = arith.constant 0 : i32
        %dma_wait3A_28 = tpu.memref_slice %arg3[%add3A, %scan3A_13, %dma_wait3A_27] : memref<32x80x128xi32, #tpu.memory_space<hbm>> -> memref<1x1x128xi32, #tpu.memory_space<hbm>>
        %dma_wait3A_29 = tpu.memref_squeeze %dma_wait3A_28 : memref<1x1x128xi32, #tpu.memory_space<hbm>> -> memref<128xi32, #tpu.memory_space<hbm>>
        tpu.wait_dma2 semaphore(%run_scoped3A : memref<!tpu.dma_semaphore, #tpu.memory_space<semaphore_mem>>) src(%dma_wait3A_29 : memref<128xi32, #tpu.memory_space<hbm>>) dst(%arg8 : memref<128xi32, #tpu.memory_space<vmem>>)
        tpu.yield
      }) : () -> ()
      "tpu.region"() ({
        %run_scoped3A = tpu.sem_alloc : memref<!tpu.dma_semaphore, #tpu.memory_space<semaphore_mem>>
        %dma_start3A_18 = arith.constant 0 : i32
        %dma_start3A_19 = tpu.memref_slice %arg4[%add3A, %scan3A_13, %dma_start3A_18] : memref<32x80x128xi32, #tpu.memory_space<hbm>> -> memref<1x1x128xi32, #tpu.memory_space<hbm>>
        %dma_start3A_20 = tpu.memref_squeeze %dma_start3A_19 : memref<1x1x128xi32, #tpu.memory_space<hbm>> -> memref<128xi32, #tpu.memory_space<hbm>>
        %dma_start3A_21 = arith.constant 0 : i32
        %dma_start3A_22 = tpu.memref_slice %arg4[%add3A, %scan3A_13, %dma_start3A_21] : memref<32x80x128xi32, #tpu.memory_space<hbm>> -> memref<1x1x128xi32, #tpu.memory_space<hbm>>
        %dma_start3A_23 = tpu.memref_squeeze %dma_start3A_22 : memref<1x1x128xi32, #tpu.memory_space<hbm>> -> memref<128xi32, #tpu.memory_space<hbm>>
        tpu.enqueue_dma source(%dma_start3A_23 : memref<128xi32, #tpu.memory_space<hbm>>) target(%arg9 : memref<128xi32, #tpu.memory_space<vmem>>) target_semaphore(%run_scoped3A : memref<!tpu.dma_semaphore, #tpu.memory_space<semaphore_mem>>)
        %dma_wait3A_24 = arith.constant 0 : i32
        %dma_wait3A_25 = tpu.memref_slice %arg4[%add3A, %scan3A_13, %dma_wait3A_24] : memref<32x80x128xi32, #tpu.memory_space<hbm>> -> memref<1x1x128xi32, #tpu.memory_space<hbm>>
        %dma_wait3A_26 = tpu.memref_squeeze %dma_wait3A_25 : memref<1x1x128xi32, #tpu.memory_space<hbm>> -> memref<128xi32, #tpu.memory_space<hbm>>
        %dma_wait3A_27 = arith.constant 0 : i32
        %dma_wait3A_28 = tpu.memref_slice %arg4[%add3A, %scan3A_13, %dma_wait3A_27] : memref<32x80x128xi32, #tpu.memory_space<hbm>> -> memref<1x1x128xi32, #tpu.memory_space<hbm>>
        %dma_wait3A_29 = tpu.memref_squeeze %dma_wait3A_28 : memref<1x1x128xi32, #tpu.memory_space<hbm>> -> memref<128xi32, #tpu.memory_space<hbm>>
        tpu.wait_dma2 semaphore(%run_scoped3A : memref<!tpu.dma_semaphore, #tpu.memory_space<semaphore_mem>>) src(%dma_wait3A_29 : memref<128xi32, #tpu.memory_space<hbm>>) dst(%arg9 : memref<128xi32, #tpu.memory_space<vmem>>)
        tpu.yield
      }) : () -> ()
      %dma_start3A = arith.constant 0 : i32
      %dma_start3A_14 = arith.constant 0 : i32
      %dma_start3A_15 = tpu.memref_slice %arg2[%dma_start3A, %dma_start3A_14] : memref<10240x48xf32, #tpu.memory_space<hbm>> -> memref<10240x48xf32, #tpu.memory_space<hbm>>
      tpu.enqueue_indirect_dma source(%dma_start3A_15 : memref<10240x48xf32, #tpu.memory_space<hbm>>) target(%arg10 : memref<128x48xf32, #tpu.memory_space<vmem>>) offsets(%arg8 : memref<128xi32, #tpu.memory_space<vmem>>) semaphore(%arg11 : memref<!tpu.dma_semaphore, #tpu.memory_space<semaphore_mem>>)
      %dma_wait3A = arith.constant 0 : i32
      %dma_wait3A_16 = arith.constant 0 : i32
      %dma_wait3A_17 = tpu.memref_slice %arg2[%dma_wait3A, %dma_wait3A_16] : memref<10240x48xf32, #tpu.memory_space<hbm>> -> memref<10240x48xf32, #tpu.memory_space<hbm>>
      tpu.wait_indirect_dma semaphore(%arg11 : memref<!tpu.dma_semaphore, #tpu.memory_space<semaphore_mem>>) src(%dma_wait3A_17 : memref<10240x48xf32, #tpu.memory_space<hbm>>) dst(%arg10 : memref<128x48xf32, #tpu.memory_space<vmem>>)
      "tpu.region"() ({
        %run_scoped3A = tpu.sem_alloc : memref<!tpu.dma_semaphore, #tpu.memory_space<semaphore_mem>>
        %dma_start3A_18 = arith.constant 0 : i32
        %dma_start3A_19 = arith.constant 0 : i32
        %dma_start3A_20 = tpu.memref_slice %arg7[%dma_start3A_18, %dma_start3A_19] : memref<10240x48xf32, #tpu.memory_space<vmem_shared>> -> memref<10240x48xf32, #tpu.memory_space<vmem_shared>>
        tpu.enqueue_indirect_dma source(%arg10 : memref<128x48xf32, #tpu.memory_space<vmem>>) target(%dma_start3A_20 : memref<10240x48xf32, #tpu.memory_space<vmem_shared>>) offsets(%arg9 : memref<128xi32, #tpu.memory_space<vmem>>) semaphore(%run_scoped3A : memref<!tpu.dma_semaphore, #tpu.memory_space<semaphore_mem>>) {add = true}
        %dma_wait3A_21 = arith.constant 0 : i32
        %dma_wait3A_22 = arith.constant 0 : i32
        %dma_wait3A_23 = tpu.memref_slice %arg7[%dma_wait3A_21, %dma_wait3A_22] : memref<10240x48xf32, #tpu.memory_space<vmem_shared>> -> memref<10240x48xf32, #tpu.memory_space<vmem_shared>>
        tpu.wait_indirect_dma semaphore(%run_scoped3A : memref<!tpu.dma_semaphore, #tpu.memory_space<semaphore_mem>>) src(%arg10 : memref<128x48xf32, #tpu.memory_space<vmem>>) dst(%dma_wait3A_23 : memref<10240x48xf32, #tpu.memory_space<vmem_shared>>)
        tpu.yield
      }) : () -> ()
    }
    %scan3A_7 = arith.constant 80 : i32
    %barrier3A_8 = arith.constant 0 : index
    tpu.barrier barrier_id(%barrier3A_8)
    %mul3A_9 = arith.constant 640 : i32
    %mul3A_10 = arith.muli %arg1, %mul3A_9 : i32
    %mul3A_11 = arith.constant 640 : i32
    %mul3A_12 = arith.muli %arg1, %mul3A_11 : i32
    "tpu.region"() ({
      %run_scoped3A = tpu.sem_alloc : memref<!tpu.dma_semaphore, #tpu.memory_space<semaphore_mem>>
      %dma_start3A = arith.constant 0 : i32
      %dma_start3A_13 = tpu.memref_slice %arg6[%arg0, %mul3A_12, %dma_start3A] : memref<2x10240x48xf32, #tpu.memory_space<hbm>> -> memref<1x640x48xf32, #tpu.memory_space<hbm>>
      %dma_start3A_14 = tpu.memref_squeeze %dma_start3A_13 : memref<1x640x48xf32, #tpu.memory_space<hbm>> -> memref<640x48xf32, #tpu.memory_space<hbm>>
      %dma_start3A_15 = arith.constant 0 : i32
      %dma_start3A_16 = tpu.memref_slice %arg7[%mul3A_10, %dma_start3A_15] : memref<10240x48xf32, #tpu.memory_space<vmem_shared>> -> memref<640x48xf32, #tpu.memory_space<vmem_shared>>
      tpu.enqueue_dma source(%dma_start3A_16 : memref<640x48xf32, #tpu.memory_space<vmem_shared>>) target(%dma_start3A_14 : memref<640x48xf32, #tpu.memory_space<hbm>>) target_semaphore(%run_scoped3A : memref<!tpu.dma_semaphore, #tpu.memory_space<semaphore_mem>>)
      %dma_wait3A = arith.constant 0 : i32
      %dma_wait3A_17 = tpu.memref_slice %arg6[%arg0, %mul3A_12, %dma_wait3A] : memref<2x10240x48xf32, #tpu.memory_space<hbm>> -> memref<1x640x48xf32, #tpu.memory_space<hbm>>
      %dma_wait3A_18 = tpu.memref_squeeze %dma_wait3A_17 : memref<1x640x48xf32, #tpu.memory_space<hbm>> -> memref<640x48xf32, #tpu.memory_space<hbm>>
      %dma_wait3A_19 = arith.constant 0 : i32
      %dma_wait3A_20 = tpu.memref_slice %arg7[%mul3A_10, %dma_wait3A_19] : memref<10240x48xf32, #tpu.memory_space<vmem_shared>> -> memref<640x48xf32, #tpu.memory_space<vmem_shared>>
      tpu.wait_dma2 semaphore(%run_scoped3A : memref<!tpu.dma_semaphore, #tpu.memory_space<semaphore_mem>>) src(%dma_wait3A_20 : memref<640x48xf32, #tpu.memory_space<vmem_shared>>) dst(%dma_wait3A_18 : memref<640x48xf32, #tpu.memory_space<hbm>>)
      tpu.yield
    }) : () -> ()
    return
  }
}

#map = affine_map<(d0, d1) -> (0, 0)>
#map1 = affine_map<(d0, d1) -> (0, 0, 0)>
module attributes {stable_mosaic.version = 14 : i64} {
  func.func @_hop_kernel(%arg0: i32, %arg1: i32, %arg2: memref<10240x48xf32, #tpu.memory_space<hbm>>, %arg3: memref<32x80x128xi32, #tpu.memory_space<hbm>>, %arg4: memref<32x80x128xi32, #tpu.memory_space<hbm>>, %arg5: memref<640x48xf32, #tpu.memory_space<hbm>>, %arg6: memref<2x10240x48xf32, #tpu.memory_space<hbm>>, %arg7: memref<10240x48xf32, #tpu.memory_space<vmem_shared>>, %arg8: memref<128xi32, #tpu.memory_space<vmem>>, %arg9: memref<128xi32, #tpu.memory_space<vmem>>, %arg10: memref<128x48xf32, #tpu.memory_space<vmem>>, %arg11: memref<!tpu.dma_semaphore, #tpu.memory_space<semaphore_mem>>) attributes {dimension_semantics = [#tpu.dimension_semantics<core_parallel>, #tpu.dimension_semantics<subcore_parallel>], iteration_bounds = array<i64: 2, 16>, scalar_prefetch = 0 : i64, scratch_operands = 5 : i64, tpu.core_type = #tpu.core_type<sc_vector_subcore>, window_params = [{transform_indices = #map}, {transform_indices = #map1}, {transform_indices = #map1}, {transform_indices = #map}, {transform_indices = #map1}]} {
    %mul3A = arith.constant 16 : i32
    %mul3A_0 = arith.muli %arg0, %mul3A : i32
    %add3A = arith.addi %mul3A_0, %arg1 : i32
    %mul3A_1 = arith.constant 640 : i32
    %mul3A_2 = arith.muli %arg1, %mul3A_1 : i32
    "tpu.region"() ({
      %run_scoped3A = tpu.sem_alloc : memref<!tpu.dma_semaphore, #tpu.memory_space<semaphore_mem>>
      %dma_start3A = arith.constant 0 : i32
      %dma_start3A_13 = tpu.memref_slice %arg7[%mul3A_2, %dma_start3A] : memref<10240x48xf32, #tpu.memory_space<vmem_shared>> -> memref<640x48xf32, #tpu.memory_space<vmem_shared>>
      tpu.enqueue_dma source(%arg5 : memref<640x48xf32, #tpu.memory_space<hbm>>) target(%dma_start3A_13 : memref<640x48xf32, #tpu.memory_space<vmem_shared>>) target_semaphore(%run_scoped3A : memref<!tpu.dma_semaphore, #tpu.memory_space<semaphore_mem>>)
      %dma_wait3A = arith.constant 0 : i32
      %dma_wait3A_14 = tpu.memref_slice %arg7[%mul3A_2, %dma_wait3A] : memref<10240x48xf32, #tpu.memory_space<vmem_shared>> -> memref<640x48xf32, #tpu.memory_space<vmem_shared>>
      tpu.wait_dma2 semaphore(%run_scoped3A : memref<!tpu.dma_semaphore, #tpu.memory_space<semaphore_mem>>) src(%arg5 : memref<640x48xf32, #tpu.memory_space<hbm>>) dst(%dma_wait3A_14 : memref<640x48xf32, #tpu.memory_space<vmem_shared>>)
      tpu.yield
    }) : () -> ()
    %barrier3A = arith.constant 0 : index
    tpu.barrier barrier_id(%barrier3A)
    %scan3A = arith.constant 0 : i32
    %scan3A_3 = arith.constant 0 : i32
    %scan3A_4 = arith.constant 80 : i32
    %scan3A_5 = arith.addi %scan3A_3, %scan3A_4 : i32
    %scan3A_6 = arith.constant 1 : i32
    scf.for %scan3A_13 = %scan3A_3 to %scan3A_5 step %scan3A_6  : i32 {
      "tpu.region"() ({
        %run_scoped3A = tpu.sem_alloc : memref<!tpu.dma_semaphore, #tpu.memory_space<semaphore_mem>>
        %dma_start3A_18 = arith.constant 0 : i32
        %dma_start3A_19 = tpu.memref_slice %arg3[%add3A, %scan3A_13, %dma_start3A_18] : memref<32x80x128xi32, #tpu.memory_space<hbm>> -> memref<1x1x128xi32, #tpu.memory_space<hbm>>
        %dma_start3A_20 = tpu.memref_squeeze %dma_start3A_19 : memref<1x1x128xi32, #tpu.memory_space<hbm>> -> memref<128xi32, #tpu.memory_space<hbm>>
        %dma_start3A_21 = arith.constant 0 : i32
        %dma_start3A_22 = tpu.memref_slice %arg3[%add3A, %scan3A_13, %dma_start3A_21] : memref<32x80x128xi32, #tpu.memory_space<hbm>> -> memref<1x1x128xi32, #tpu.memory_space<hbm>>
        %dma_start3A_23 = tpu.memref_squeeze %dma_start3A_22 : memref<1x1x128xi32, #tpu.memory_space<hbm>> -> memref<128xi32, #tpu.memory_space<hbm>>
        tpu.enqueue_dma source(%dma_start3A_23 : memref<128xi32, #tpu.memory_space<hbm>>) target(%arg8 : memref<128xi32, #tpu.memory_space<vmem>>) target_semaphore(%run_scoped3A : memref<!tpu.dma_semaphore, #tpu.memory_space<semaphore_mem>>)
        %dma_wait3A_24 = arith.constant 0 : i32
        %dma_wait3A_25 = tpu.memref_slice %arg3[%add3A, %scan3A_13, %dma_wait3A_24] : memref<32x80x128xi32, #tpu.memory_space<hbm>> -> memref<1x1x128xi32, #tpu.memory_space<hbm>>
        %dma_wait3A_26 = tpu.memref_squeeze %dma_wait3A_25 : memref<1x1x128xi32, #tpu.memory_space<hbm>> -> memref<128xi32, #tpu.memory_space<hbm>>
        %dma_wait3A_27 = arith.constant 0 : i32
        %dma_wait3A_28 = tpu.memref_slice %arg3[%add3A, %scan3A_13, %dma_wait3A_27] : memref<32x80x128xi32, #tpu.memory_space<hbm>> -> memref<1x1x128xi32, #tpu.memory_space<hbm>>
        %dma_wait3A_29 = tpu.memref_squeeze %dma_wait3A_28 : memref<1x1x128xi32, #tpu.memory_space<hbm>> -> memref<128xi32, #tpu.memory_space<hbm>>
        tpu.wait_dma2 semaphore(%run_scoped3A : memref<!tpu.dma_semaphore, #tpu.memory_space<semaphore_mem>>) src(%dma_wait3A_29 : memref<128xi32, #tpu.memory_space<hbm>>) dst(%arg8 : memref<128xi32, #tpu.memory_space<vmem>>)
        tpu.yield
      }) : () -> ()
      "tpu.region"() ({
        %run_scoped3A = tpu.sem_alloc : memref<!tpu.dma_semaphore, #tpu.memory_space<semaphore_mem>>
        %dma_start3A_18 = arith.constant 0 : i32
        %dma_start3A_19 = tpu.memref_slice %arg4[%add3A, %scan3A_13, %dma_start3A_18] : memref<32x80x128xi32, #tpu.memory_space<hbm>> -> memref<1x1x128xi32, #tpu.memory_space<hbm>>
        %dma_start3A_20 = tpu.memref_squeeze %dma_start3A_19 : memref<1x1x128xi32, #tpu.memory_space<hbm>> -> memref<128xi32, #tpu.memory_space<hbm>>
        %dma_start3A_21 = arith.constant 0 : i32
        %dma_start3A_22 = tpu.memref_slice %arg4[%add3A, %scan3A_13, %dma_start3A_21] : memref<32x80x128xi32, #tpu.memory_space<hbm>> -> memref<1x1x128xi32, #tpu.memory_space<hbm>>
        %dma_start3A_23 = tpu.memref_squeeze %dma_start3A_22 : memref<1x1x128xi32, #tpu.memory_space<hbm>> -> memref<128xi32, #tpu.memory_space<hbm>>
        tpu.enqueue_dma source(%dma_start3A_23 : memref<128xi32, #tpu.memory_space<hbm>>) target(%arg9 : memref<128xi32, #tpu.memory_space<vmem>>) target_semaphore(%run_scoped3A : memref<!tpu.dma_semaphore, #tpu.memory_space<semaphore_mem>>)
        %dma_wait3A_24 = arith.constant 0 : i32
        %dma_wait3A_25 = tpu.memref_slice %arg4[%add3A, %scan3A_13, %dma_wait3A_24] : memref<32x80x128xi32, #tpu.memory_space<hbm>> -> memref<1x1x128xi32, #tpu.memory_space<hbm>>
        %dma_wait3A_26 = tpu.memref_squeeze %dma_wait3A_25 : memref<1x1x128xi32, #tpu.memory_space<hbm>> -> memref<128xi32, #tpu.memory_space<hbm>>
        %dma_wait3A_27 = arith.constant 0 : i32
        %dma_wait3A_28 = tpu.memref_slice %arg4[%add3A, %scan3A_13, %dma_wait3A_27] : memref<32x80x128xi32, #tpu.memory_space<hbm>> -> memref<1x1x128xi32, #tpu.memory_space<hbm>>
        %dma_wait3A_29 = tpu.memref_squeeze %dma_wait3A_28 : memref<1x1x128xi32, #tpu.memory_space<hbm>> -> memref<128xi32, #tpu.memory_space<hbm>>
        tpu.wait_dma2 semaphore(%run_scoped3A : memref<!tpu.dma_semaphore, #tpu.memory_space<semaphore_mem>>) src(%dma_wait3A_29 : memref<128xi32, #tpu.memory_space<hbm>>) dst(%arg9 : memref<128xi32, #tpu.memory_space<vmem>>)
        tpu.yield
      }) : () -> ()
      %dma_start3A = arith.constant 0 : i32
      %dma_start3A_14 = arith.constant 0 : i32
      %dma_start3A_15 = tpu.memref_slice %arg2[%dma_start3A, %dma_start3A_14] : memref<10240x48xf32, #tpu.memory_space<hbm>> -> memref<10240x48xf32, #tpu.memory_space<hbm>>
      tpu.enqueue_indirect_dma source(%dma_start3A_15 : memref<10240x48xf32, #tpu.memory_space<hbm>>) target(%arg10 : memref<128x48xf32, #tpu.memory_space<vmem>>) offsets(%arg8 : memref<128xi32, #tpu.memory_space<vmem>>) semaphore(%arg11 : memref<!tpu.dma_semaphore, #tpu.memory_space<semaphore_mem>>)
      %dma_wait3A = arith.constant 0 : i32
      %dma_wait3A_16 = arith.constant 0 : i32
      %dma_wait3A_17 = tpu.memref_slice %arg2[%dma_wait3A, %dma_wait3A_16] : memref<10240x48xf32, #tpu.memory_space<hbm>> -> memref<10240x48xf32, #tpu.memory_space<hbm>>
      tpu.wait_indirect_dma semaphore(%arg11 : memref<!tpu.dma_semaphore, #tpu.memory_space<semaphore_mem>>) src(%dma_wait3A_17 : memref<10240x48xf32, #tpu.memory_space<hbm>>) dst(%arg10 : memref<128x48xf32, #tpu.memory_space<vmem>>)
      "tpu.region"() ({
        %run_scoped3A = tpu.sem_alloc : memref<!tpu.dma_semaphore, #tpu.memory_space<semaphore_mem>>
        %dma_start3A_18 = arith.constant 0 : i32
        %dma_start3A_19 = arith.constant 0 : i32
        %dma_start3A_20 = tpu.memref_slice %arg7[%dma_start3A_18, %dma_start3A_19] : memref<10240x48xf32, #tpu.memory_space<vmem_shared>> -> memref<10240x48xf32, #tpu.memory_space<vmem_shared>>
        tpu.enqueue_indirect_dma source(%arg10 : memref<128x48xf32, #tpu.memory_space<vmem>>) target(%dma_start3A_20 : memref<10240x48xf32, #tpu.memory_space<vmem_shared>>) offsets(%arg9 : memref<128xi32, #tpu.memory_space<vmem>>) semaphore(%run_scoped3A : memref<!tpu.dma_semaphore, #tpu.memory_space<semaphore_mem>>) {add = true}
        %dma_wait3A_21 = arith.constant 0 : i32
        %dma_wait3A_22 = arith.constant 0 : i32
        %dma_wait3A_23 = tpu.memref_slice %arg7[%dma_wait3A_21, %dma_wait3A_22] : memref<10240x48xf32, #tpu.memory_space<vmem_shared>> -> memref<10240x48xf32, #tpu.memory_space<vmem_shared>>
        tpu.wait_indirect_dma semaphore(%run_scoped3A : memref<!tpu.dma_semaphore, #tpu.memory_space<semaphore_mem>>) src(%arg10 : memref<128x48xf32, #tpu.memory_space<vmem>>) dst(%dma_wait3A_23 : memref<10240x48xf32, #tpu.memory_space<vmem_shared>>)
        tpu.yield
      }) : () -> ()
    }
    %scan3A_7 = arith.constant 80 : i32
    %barrier3A_8 = arith.constant 0 : index
    tpu.barrier barrier_id(%barrier3A_8)
    %mul3A_9 = arith.constant 640 : i32
    %mul3A_10 = arith.muli %arg1, %mul3A_9 : i32
    %mul3A_11 = arith.constant 640 : i32
    %mul3A_12 = arith.muli %arg1, %mul3A_11 : i32
    "tpu.region"() ({
      %run_scoped3A = tpu.sem_alloc : memref<!tpu.dma_semaphore, #tpu.memory_space<semaphore_mem>>
      %dma_start3A = arith.constant 0 : i32
      %dma_start3A_13 = tpu.memref_slice %arg6[%arg0, %mul3A_12, %dma_start3A] : memref<2x10240x48xf32, #tpu.memory_space<hbm>> -> memref<1x640x48xf32, #tpu.memory_space<hbm>>
      %dma_start3A_14 = tpu.memref_squeeze %dma_start3A_13 : memref<1x640x48xf32, #tpu.memory_space<hbm>> -> memref<640x48xf32, #tpu.memory_space<hbm>>
      %dma_start3A_15 = arith.constant 0 : i32
      %dma_start3A_16 = tpu.memref_slice %arg7[%mul3A_10, %dma_start3A_15] : memref<10240x48xf32, #tpu.memory_space<vmem_shared>> -> memref<640x48xf32, #tpu.memory_space<vmem_shared>>
      tpu.enqueue_dma source(%dma_start3A_16 : memref<640x48xf32, #tpu.memory_space<vmem_shared>>) target(%dma_start3A_14 : memref<640x48xf32, #tpu.memory_space<hbm>>) target_semaphore(%run_scoped3A : memref<!tpu.dma_semaphore, #tpu.memory_space<semaphore_mem>>)
      %dma_wait3A = arith.constant 0 : i32
      %dma_wait3A_17 = tpu.memref_slice %arg6[%arg0, %mul3A_12, %dma_wait3A] : memref<2x10240x48xf32, #tpu.memory_space<hbm>> -> memref<1x640x48xf32, #tpu.memory_space<hbm>>
      %dma_wait3A_18 = tpu.memref_squeeze %dma_wait3A_17 : memref<1x640x48xf32, #tpu.memory_space<hbm>> -> memref<640x48xf32, #tpu.memory_space<hbm>>
      %dma_wait3A_19 = arith.constant 0 : i32
      %dma_wait3A_20 = tpu.memref_slice %arg7[%mul3A_10, %dma_wait3A_19] : memref<10240x48xf32, #tpu.memory_space<vmem_shared>> -> memref<640x48xf32, #tpu.memory_space<vmem_shared>>
      tpu.wait_dma2 semaphore(%run_scoped3A : memref<!tpu.dma_semaphore, #tpu.memory_space<semaphore_mem>>) src(%dma_wait3A_20 : memref<640x48xf32, #tpu.memory_space<vmem_shared>>) dst(%dma_wait3A_18 : memref<640x48xf32, #tpu.memory_space<hbm>>)
      tpu.yield
    }) : () -> ()
    return
  }
}

module attributes {stable_mosaic.version = 14 : i64} {
  func.func @_mm_body(%arg0: i32, %arg1: memref<640x128xf32, #tpu.memory_space<vmem>>, %arg2: memref<128x48xf32, #tpu.memory_space<vmem>>, %arg3: memref<2x640x1xf32, #tpu.memory_space<vmem>>, %arg4: memref<640x48xf32, #tpu.memory_space<vmem>>, %arg5: memref<640x1xf32, #tpu.memory_space<vmem>>) attributes {dimension_semantics = [#tpu.dimension_semantics<arbitrary>], iteration_bounds = array<i64: 16>, scalar_prefetch = 0 : i64, scratch_operands = 0 : i64, tpu.core_type = #tpu.core_type<tc>, window_params = [{transform_indices = @transform_0, window_bounds = array<i64: 640, 128>}, {pipeline_mode = #tpu.pipeline_mode<synchronous>, transform_indices = @transform_1, window_bounds = array<i64: 128, 48>}, {transform_indices = @transform_2, window_bounds = array<i64: 2, 640, 1>}, {transform_indices = @transform_3, window_bounds = array<i64: 640, 48>}, {transform_indices = @transform_4, window_bounds = array<i64: 640, 1>}]} {
    %get3A = arith.constant 0 : index
    %get3A_0 = arith.constant 0 : index
    %get3A_1 = arith.constant 0 : index
    %get3A_2 = vector.load %arg3[%get3A, %get3A_0, %get3A_1] : memref<2x640x1xf32, #tpu.memory_space<vmem>>, vector<1x640x1xf32>
    %get3A_3 = vector.shape_cast %get3A_2 : vector<1x640x1xf32> to vector<640x1xf32>
    %get3A_4 = arith.constant 1 : index
    %get3A_5 = arith.constant 0 : index
    %get3A_6 = arith.constant 0 : index
    %get3A_7 = vector.load %arg3[%get3A_4, %get3A_5, %get3A_6] : memref<2x640x1xf32, #tpu.memory_space<vmem>>, vector<1x640x1xf32>
    %get3A_8 = vector.shape_cast %get3A_7 : vector<1x640x1xf32> to vector<640x1xf32>
    %add3A = arith.addf %get3A_3, %get3A_8 : vector<640x1xf32>
    %add3A_9 = arith.constant 1.000000e+00 : f32
    %add3A_10 = vector.broadcast %add3A_9 : f32 to vector<640x1xf32>
    %add3A_11 = arith.addf %add3A, %add3A_10 : vector<640x1xf32>
    %rsqrt3A = math.rsqrt %add3A_11 : vector<640x1xf32>
    %get3A_12 = arith.constant 0 : index
    %get3A_13 = arith.constant 0 : index
    %get3A_14 = vector.load %arg1[%get3A_12, %get3A_13] : memref<640x128xf32, #tpu.memory_space<vmem>>, vector<640x128xf32>
    %get3A_15 = arith.constant 0 : index
    %get3A_16 = arith.constant 0 : index
    %get3A_17 = vector.load %arg2[%get3A_15, %get3A_16] : memref<128x48xf32, #tpu.memory_space<vmem>>, vector<128x48xf32>
    %dot_general3A = arith.constant dense<0.000000e+00> : vector<640x48xf32>
    %dot_general3A_18 = tpu.matmul %get3A_14, %get3A_17, %dot_general3A {dimension_numbers = #tpu.dot_dimension_numbers<[1], [0], [0], [1], [0, 0, 1, 1], [], []>, transpose_lhs_hint = false} : vector<640x128xf32>, vector<128x48xf32>, vector<640x48xf32> -> vector<640x48xf32>
    %mul3A = vector.broadcast %rsqrt3A : vector<640x1xf32> to vector<640x48xf32>
    %mul3A_19 = arith.mulf %dot_general3A_18, %mul3A : vector<640x48xf32>
    %swap3A = arith.constant 0 : index
    %swap3A_20 = arith.constant 0 : index
    %swap3A_21 = vector.load %arg4[%swap3A, %swap3A_20] : memref<640x48xf32, #tpu.memory_space<vmem>>, vector<640x48xf32>
    tpu.vector_store %arg4[%swap3A, %swap3A_20], %mul3A_19 {strides = array<i32>} : memref<640x48xf32, #tpu.memory_space<vmem>>, vector<640x48xf32>,
    %swap3A_22 = arith.constant 0 : index
    %swap3A_23 = arith.constant 0 : index
    %swap3A_24 = vector.load %arg5[%swap3A_22, %swap3A_23] : memref<640x1xf32, #tpu.memory_space<vmem>>, vector<640x1xf32>
    tpu.vector_store %arg5[%swap3A_22, %swap3A_23], %rsqrt3A {strides = array<i32>} : memref<640x1xf32, #tpu.memory_space<vmem>>, vector<640x1xf32>,
    return
  }
  func.func @transform_0(%arg0: i32) -> (i32, i32) {
    %c0_i32 = arith.constant 0 : i32
    %c0_i32_0 = arith.constant 0 : i32
    return %arg0, %c0_i32 : i32, i32
  }
  func.func @transform_1(%arg0: i32) -> (i32, i32) {
    %c0_i32 = arith.constant 0 : i32
    %c0_i32_0 = arith.constant 0 : i32
    %c0_i32_1 = arith.constant 0 : i32
    return %c0_i32, %c0_i32_0 : i32, i32
  }
  func.func @transform_2(%arg0: i32) -> (i32, i32, i32) {
    %c0_i32 = arith.constant 0 : i32
    %c0_i32_0 = arith.constant 0 : i32
    %c0_i32_1 = arith.constant 0 : i32
    return %c0_i32, %arg0, %c0_i32_0 : i32, i32, i32
  }
  func.func @transform_3(%arg0: i32) -> (i32, i32) {
    %c0_i32 = arith.constant 0 : i32
    %c0_i32_0 = arith.constant 0 : i32
    return %arg0, %c0_i32 : i32, i32
  }
  func.func @transform_4(%arg0: i32) -> (i32, i32) {
    %c0_i32 = arith.constant 0 : i32
    %c0_i32_0 = arith.constant 0 : i32
    return %arg0, %c0_i32 : i32, i32
  }
}

module attributes {stable_mosaic.version = 14 : i64} {
  func.func @_mid_body(%arg0: i32, %arg1: memref<2x640x48xf32, #tpu.memory_space<vmem>>, %arg2: memref<640x48xf32, #tpu.memory_space<vmem>>, %arg3: memref<640x1xf32, #tpu.memory_space<vmem>>, %arg4: memref<640x48xf32, #tpu.memory_space<vmem>>) attributes {dimension_semantics = [#tpu.dimension_semantics<arbitrary>], iteration_bounds = array<i64: 16>, scalar_prefetch = 0 : i64, scratch_operands = 0 : i64, tpu.core_type = #tpu.core_type<tc>, window_params = [{transform_indices = @transform_0, window_bounds = array<i64: 2, 640, 48>}, {transform_indices = @transform_1, window_bounds = array<i64: 640, 48>}, {transform_indices = @transform_2, window_bounds = array<i64: 640, 1>}, {transform_indices = @transform_3, window_bounds = array<i64: 640, 48>}]} {
    %get3A = arith.constant 0 : index
    %get3A_0 = arith.constant 0 : index
    %get3A_1 = vector.load %arg3[%get3A, %get3A_0] : memref<640x1xf32, #tpu.memory_space<vmem>>, vector<640x1xf32>
    %get3A_2 = arith.constant 0 : index
    %get3A_3 = arith.constant 0 : index
    %get3A_4 = arith.constant 0 : index
    %get3A_5 = vector.load %arg1[%get3A_2, %get3A_3, %get3A_4] : memref<2x640x48xf32, #tpu.memory_space<vmem>>, vector<1x640x48xf32>
    %get3A_6 = vector.shape_cast %get3A_5 : vector<1x640x48xf32> to vector<640x48xf32>
    %get3A_7 = arith.constant 1 : index
    %get3A_8 = arith.constant 0 : index
    %get3A_9 = arith.constant 0 : index
    %get3A_10 = vector.load %arg1[%get3A_7, %get3A_8, %get3A_9] : memref<2x640x48xf32, #tpu.memory_space<vmem>>, vector<1x640x48xf32>
    %get3A_11 = vector.shape_cast %get3A_10 : vector<1x640x48xf32> to vector<640x48xf32>
    %add3A = arith.addf %get3A_6, %get3A_11 : vector<640x48xf32>
    %get3A_12 = arith.constant 0 : index
    %get3A_13 = arith.constant 0 : index
    %get3A_14 = vector.load %arg2[%get3A_12, %get3A_13] : memref<640x48xf32, #tpu.memory_space<vmem>>, vector<640x48xf32>
    %add3A_15 = arith.addf %add3A, %get3A_14 : vector<640x48xf32>
    %mul3A = arith.mulf %get3A_1, %get3A_1 : vector<640x1xf32>
    %mul3A_16 = vector.broadcast %mul3A : vector<640x1xf32> to vector<640x48xf32>
    %mul3A_17 = arith.mulf %add3A_15, %mul3A_16 : vector<640x48xf32>
    %swap3A = arith.constant 0 : index
    %swap3A_18 = arith.constant 0 : index
    %swap3A_19 = vector.load %arg4[%swap3A, %swap3A_18] : memref<640x48xf32, #tpu.memory_space<vmem>>, vector<640x48xf32>
    tpu.vector_store %arg4[%swap3A, %swap3A_18], %mul3A_17 {strides = array<i32>} : memref<640x48xf32, #tpu.memory_space<vmem>>, vector<640x48xf32>,
    return
  }
  func.func @transform_0(%arg0: i32) -> (i32, i32, i32) {
    %c0_i32 = arith.constant 0 : i32
    %c0_i32_0 = arith.constant 0 : i32
    %c0_i32_1 = arith.constant 0 : i32
    return %c0_i32, %arg0, %c0_i32_0 : i32, i32, i32
  }
  func.func @transform_1(%arg0: i32) -> (i32, i32) {
    %c0_i32 = arith.constant 0 : i32
    %c0_i32_0 = arith.constant 0 : i32
    return %arg0, %c0_i32 : i32, i32
  }
  func.func @transform_2(%arg0: i32) -> (i32, i32) {
    %c0_i32 = arith.constant 0 : i32
    %c0_i32_0 = arith.constant 0 : i32
    return %arg0, %c0_i32 : i32, i32
  }
  func.func @transform_3(%arg0: i32) -> (i32, i32) {
    %c0_i32 = arith.constant 0 : i32
    %c0_i32_0 = arith.constant 0 : i32
    return %arg0, %c0_i32 : i32, i32
  }
}

module attributes {stable_mosaic.version = 14 : i64} {
  func.func @_out_body(%arg0: i32, %arg1: memref<2x1000x48xf32, #tpu.memory_space<vmem>>, %arg2: memref<1000x48xf32, #tpu.memory_space<vmem>>, %arg3: memref<1000x1xf32, #tpu.memory_space<vmem>>, %arg4: memref<1x40xf32, #tpu.memory_space<vmem>>, %arg5: memref<1000x40xf32, #tpu.memory_space<vmem>>) attributes {dimension_semantics = [#tpu.dimension_semantics<arbitrary>], iteration_bounds = array<i64: 10>, scalar_prefetch = 0 : i64, scratch_operands = 0 : i64, tpu.core_type = #tpu.core_type<tc>, window_params = [{transform_indices = @transform_0, window_bounds = array<i64: 2, 1000, 48>}, {transform_indices = @transform_1, window_bounds = array<i64: 1000, 48>}, {transform_indices = @transform_2, window_bounds = array<i64: 1000, 1>}, {pipeline_mode = #tpu.pipeline_mode<synchronous>, transform_indices = @transform_3, window_bounds = array<i64: 1, 40>}, {transform_indices = @transform_4, window_bounds = array<i64: 1000, 40>}]} {
    %get3A = arith.constant 0 : index
    %get3A_0 = arith.constant 0 : index
    %get3A_1 = arith.constant 0 : index
    %get3A_2 = vector.load %arg1[%get3A, %get3A_0, %get3A_1] : memref<2x1000x48xf32, #tpu.memory_space<vmem>>, vector<1x1000x48xf32>
    %get3A_3 = vector.shape_cast %get3A_2 : vector<1x1000x48xf32> to vector<1000x48xf32>
    %get3A_4 = arith.constant 1 : index
    %get3A_5 = arith.constant 0 : index
    %get3A_6 = arith.constant 0 : index
    %get3A_7 = vector.load %arg1[%get3A_4, %get3A_5, %get3A_6] : memref<2x1000x48xf32, #tpu.memory_space<vmem>>, vector<1x1000x48xf32>
    %get3A_8 = vector.shape_cast %get3A_7 : vector<1x1000x48xf32> to vector<1000x48xf32>
    %add3A = arith.addf %get3A_3, %get3A_8 : vector<1000x48xf32>
    %get3A_9 = arith.constant 0 : index
    %get3A_10 = arith.constant 0 : index
    %get3A_11 = vector.load %arg2[%get3A_9, %get3A_10] : memref<1000x48xf32, #tpu.memory_space<vmem>>, vector<1000x48xf32>
    %add3A_12 = arith.addf %add3A, %get3A_11 : vector<1000x48xf32>
    %get3A_13 = arith.constant 0 : index
    %get3A_14 = arith.constant 0 : index
    %get3A_15 = vector.load %arg3[%get3A_13, %get3A_14] : memref<1000x1xf32, #tpu.memory_space<vmem>>, vector<1000x1xf32>
    %mul3A = vector.broadcast %get3A_15 : vector<1000x1xf32> to vector<1000x48xf32>
    %mul3A_16 = arith.mulf %add3A_12, %mul3A : vector<1000x48xf32>
    %slice3A = vector.extract_strided_slice %mul3A_16 {offsets = [0, 0], sizes = [1000, 40], strides = [1, 1]} : vector<1000x48xf32> to vector<1000x40xf32>
    %get3A_17 = arith.constant 0 : index
    %get3A_18 = arith.constant 0 : index
    %get3A_19 = vector.load %arg4[%get3A_17, %get3A_18] : memref<1x40xf32, #tpu.memory_space<vmem>>, vector<1x40xf32>
    %add3A_20 = vector.broadcast %get3A_19 : vector<1x40xf32> to vector<1000x40xf32>
    %add3A_21 = arith.addf %slice3A, %add3A_20 : vector<1000x40xf32>
    %swap3A = arith.constant 0 : index
    %swap3A_22 = arith.constant 0 : index
    %swap3A_23 = vector.load %arg5[%swap3A, %swap3A_22] : memref<1000x40xf32, #tpu.memory_space<vmem>>, vector<1000x40xf32>
    tpu.vector_store %arg5[%swap3A, %swap3A_22], %add3A_21 {strides = array<i32>} : memref<1000x40xf32, #tpu.memory_space<vmem>>, vector<1000x40xf32>,
    return
  }
  func.func @transform_0(%arg0: i32) -> (i32, i32, i32) {
    %c0_i32 = arith.constant 0 : i32
    %c0_i32_0 = arith.constant 0 : i32
    %c0_i32_1 = arith.constant 0 : i32
    return %c0_i32, %arg0, %c0_i32_0 : i32, i32, i32
  }
  func.func @transform_1(%arg0: i32) -> (i32, i32) {
    %c0_i32 = arith.constant 0 : i32
    %c0_i32_0 = arith.constant 0 : i32
    return %arg0, %c0_i32 : i32, i32
  }
  func.func @transform_2(%arg0: i32) -> (i32, i32) {
    %c0_i32 = arith.constant 0 : i32
    %c0_i32_0 = arith.constant 0 : i32
    return %arg0, %c0_i32 : i32, i32
  }
  func.func @transform_3(%arg0: i32) -> (i32, i32) {
    %c0_i32 = arith.constant 0 : i32
    %c0_i32_0 = arith.constant 0 : i32
    %c0_i32_1 = arith.constant 0 : i32
    return %c0_i32, %c0_i32_0 : i32, i32
  }
  func.func @transform_4(%arg0: i32) -> (i32, i32) {
    %c0_i32 = arith.constant 0 : i32
    %c0_i32_0 = arith.constant 0 : i32
    return %arg0, %c0_i32 : i32, i32
  }
}

</mosaic_0001>

<sc_bundles>
// kernel: kernel.11.cloned.1.call-start
scs
__scs_entry_jumppad:
0x0: {  	(pc) =	sbr.rel $0x88, $3  }
0x1: {  	(tag) =	ssettag $0x0;
	lr =	simm.s32 $0x1  }
0x2: {  	[smem:$0x3F9D] =	sst lr;
	_ =	strace $0xD0000000  }
0x3: {  	_ = 	snop  }
0x4: {  	_ = 	snop  }
0x5: {  	_ = 	snop  }
0x6: {  	_ = 	snop  }
0x7: {  	_ = 	snop  }
__scs_overlays_trampoline_lowered:
0x8: {  	[smem:$0x3FAC] =	sst s0  }
0x9: {  	[smem:$0x3FAD] =	sst s1  }
0xa: {  	[smem:$0x3FAE] =	sst s2  }
0xb: {  	[smem:$0x3FAF] =	sst s3  }
0xc: {  	[smem:$0x3FB0] =	sst s4  }
0xd: {  	[smem:$0x3FB1] =	sst s5  }
0xe: {  	[smem:$0x3FB2] =	sst s6  }
0xf: {  	[smem:$0x3FB3] =	sst s7  }
0x10: {  	[smem:$0x3FB4] =	sst s8  }
0x11: {  	[smem:$0x3FB5] =	sst s9;
	s0 =	simm.s32 @!p0 $0x0  }
0x12: {  	s1 =	sld [smem:$0x3F9B];
	s0 =	simm.s32 @p0 $0x1  }
0x13: {  	[smem:$0x3FB6] =	sst s0;
	s0 =	simm.s32 @!p1 $0x0  }
0x14: {  	s2 =	sld [smem:$0x3F9A];
	s0 =	simm.s32 @p1 $0x1  }
0x15: {  	[smem:$0x3FB7] =	sst s0;
	s0 =	simm.s32 @!p2 $0x0  }
0x16: {  	s3 =	sld [smem:$0x3FDB];
	s0 =	simm.s32 @p2 $0x1  }
0x17: {  	s4 =	simm.s32 $0x1BF5;
	[smem:$0x3FB9] =	sst s0  }
0x18: {  	s0 =	sld [smem:$0x3F9C];
	_ =	swait.ge [sflag:s4], $0x0  }
0x19: {  	s7 =	sld [smem:$0x3F9D]  }
0x1a: {  	s8 =	sadd.s32 $0xFFFFE003, lr  }
0x1b: {  	s9 =	sadd.s32 $0xFFFFFEF7, lr;
	s5 =	simm.s32 $0xFFFFFFFF;
	p2 =	slt.u32 s8, $0xFFFFF086  }
0x1c: {  	p1 =	slt.u32 s9, $0xF7A;
	s5 =	simm.s32 @!p2 $0x0  }
0x1d: {  	s5 =	simm.s32 @p1 $0x1;
	p0 =	seq.s32 s7, s2  }
0x1e: {  	s7 =	smul.u32 @!p0 $0xF7A, s2;
	p2 =	seq.s32 @!p0 s5, $0x0  }
0x1f: {  	s9 =	smul.u32 $0xF7A, s1;
	s8 =	simm.s32 @!p0 $0x1BF5;
	p2 =	por !p2, p0  }
0x20: {  	[sflag:s8] =	ssyncset.s32 @!p0 $0xFFFFF086;
	s6 =	sadd.s32 @!p0 s3, s7;
	s7 =	simm.s32 @!p0 $0x108  }
0x21: {  	s3 =	sadd.s32 s3, s9;
	s6 =	sadd.s32 @!p0 $0x88, s6;
	s7 =	simm.s32 @p2 $0x1082  }
0x22: {  	[simem:s7], [sflag:s8] =	dma.local @!p0 [hbm:s6], $0xF7A  }
0x23: {  	s9 =	sor.u32 $0xD0000000, s2;
	s6 =	simm.s32 $0x108;
	_ =	swait.ge @!p0 [sflag:s8], $0x0  }
0x24: {  	s3 =	sadd.s32 $0x88, s3;
	s6 =	simm.s32 @!p1 $0x1082;
	[sflag:s4] =	ssyncset.s32 $0xFFFFF086  }
0x25: {  	[simem:s6], [sflag:s4] =	dma.local [hbm:s3], $0xF7A  }
0x26: {  	[smem:$0x3F9D] =	sst s1;
	(tag) =	ssettag s2;
	_ =	strace s9  }
0x27: {  	s1 =	sld [smem:$0x3FAD]  }
0x28: {  	s2 =	sld [smem:$0x3FAE]  }
0x29: {  	s4 =	sld [smem:$0x3FB0]  }
0x2a: {  	p0 =	seq.s32 s5, $0x0;
	s5 =	sld [smem:$0x3FB1]  }
0x2b: {  	s6 =	sld [smem:$0x3FB2]  }
0x2c: {  	s7 =	sld [smem:$0x3FB3]  }
0x2d: {  	s3 =	simm.s32 $0x108;
	s8 =	sld [smem:$0x3FB4]  }
0x2e: {  	s3 =	simm.s32 @!p0 $0x1082;
	s9 =	sld [smem:$0x3FB5]  }
0x2f: {  	lr =	sadd.s32 s0, s3;
	s0 =	sld [smem:$0x3FAC]  }
0x30: {  	s3 =	sld [smem:$0x3FAF]  }
0x31: {  	[smem:$0x3FB8] =	sst s10  }
0x32: {  	s10 =	sld [smem:$0x3FB6];
	_ =	sdelay $0x3  }
0x33: {  	p0 =	seq.s32 s10, $0x1;
	s10 =	sld [smem:$0x3FB8];
	_ =	sdelay $0x3  }
0x34: {  	[smem:$0x3FB8] =	sst s10  }
0x35: {  	s10 =	sld [smem:$0x3FB7];
	_ =	sdelay $0x3  }
0x36: {  	p1 =	seq.s32 s10, $0x1;
	s10 =	sld [smem:$0x3FB8];
	_ =	sdelay $0x3  }
0x37: {  	[smem:$0x3FB8] =	sst s10  }
0x38: {  	s10 =	sld [smem:$0x3FB9]  }
0x39: {  	_ = 	snop;
	(pc) =	sbr.ind lr, $3  }
0x3a: {  	_ = 	snop  }
0x3b: {  	_ = 	snop  }
0x3c: {  	p2 =	seq.s32 s10, $0x1;
	s10 =	sld [smem:$0x3FB8]  }
0x3d: {  	_ =	shalt  }
0x3e: {  	_ =	shalt  }
0x3f: {  	_ =	shalt  }
0x40: {  	_ =	shalt  }
0x41: {  	_ =	shalt  }
0x42: {  	_ =	shalt  }
0x43: {  	_ =	shalt  }
0x44: {  	_ =	shalt  }
0x45: {  	_ =	shalt  }
0x46: {  	_ =	shalt  }
0x47: {  	_ =	shalt  }
0x48: {  	_ =	shalt  }
0x49: {  	_ =	shalt  }
0x4a: {  	_ =	shalt  }
0x4b: {  	_ =	shalt  }
0x4c: {  	_ =	shalt  }
0x4d: {  	_ =	shalt  }
0x4e: {  	_ =	shalt  }
0x4f: {  	_ =	shalt  }
0x50: {  	_ =	shalt  }
0x51: {  	_ =	shalt  }
0x52: {  	_ =	shalt  }
0x53: {  	_ =	shalt  }
0x54: {  	_ =	shalt  }
0x55: {  	_ =	shalt  }
0x56: {  	_ =	shalt  }
0x57: {  	_ =	shalt  }
0x58: {  	_ =	shalt  }
0x59: {  	_ =	shalt  }
0x5a: {  	_ =	shalt  }
0x5b: {  	_ =	shalt  }
0x5c: {  	_ =	shalt  }
0x5d: {  	_ =	shalt  }
0x5e: {  	_ =	shalt  }
0x5f: {  	_ =	shalt  }
0x60: {  	_ =	shalt  }
0x61: {  	_ =	shalt  }
0x62: {  	_ =	shalt  }
0x63: {  	_ =	shalt  }
0x64: {  	_ =	shalt  }
0x65: {  	_ =	shalt  }
0x66: {  	_ =	shalt  }
0x67: {  	_ =	shalt  }
0x68: {  	_ =	shalt  }
0x69: {  	_ =	shalt  }
0x6a: {  	_ =	shalt  }
0x6b: {  	_ =	shalt  }
0x6c: {  	_ =	shalt  }
0x6d: {  	_ =	shalt  }
0x6e: {  	_ =	shalt  }
0x6f: {  	_ =	shalt  }
0x70: {  	_ =	shalt  }
0x71: {  	_ =	shalt  }
0x72: {  	_ =	shalt  }
0x73: {  	_ =	shalt  }
0x74: {  	_ =	shalt  }
0x75: {  	_ =	shalt  }
0x76: {  	_ =	shalt  }
0x77: {  	_ =	shalt  }
0x78: {  	_ =	shalt  }
0x79: {  	_ =	shalt  }
0x7a: {  	_ =	shalt  }
0x7b: {  	_ =	shalt  }
0x7c: {  	_ =	shalt  }
0x7d: {  	_ =	shalt  }
0x7e: {  	_ =	shalt  }
0x7f: {  	_ =	shalt  }
0x80: {  	_ =	shalt  }
0x81: {  	_ =	shalt  }
0x82: {  	_ =	shalt  }
0x83: {  	_ =	shalt  }
0x84: {  	_ =	shalt  }
0x85: {  	_ =	shalt  }
0x86: {  	_ =	shalt  }
0x87: {  	_ =	shalt  }
.Lfunc_end0:
.L_simem_size_0:
called_computation.1_lowered:
.L_overlay_start_0:
0x88: {  	s2 =	sld [smem:$0x3FD9]  }
0x89: {  	s3 =	sld [smem:$0x3FFE];
	_ =	sdelay $0x1  }
0x8a: {  	s1 =	srdreg.scid  }
0x8b: {  	s0 =	sand.u32 $0x1, s1  }
0x8c: {  	s17 =	sshll.u32 s0, $0xA;
	s2 =	sadd.s32 s3, s2  }
0x8d: {  	s2 =	sadd.s32 s2, s17  }
0x8e: {  	[smem:$0x3FC4] =	sst s2  }
0x8f: {  	_ = 	snop  }
0x90: {  	s2 =	sld [smem:$0x3FD0];
	(tm) =	ssettm $0x1  }
0x91: {  	s18 =	sld [smem:$0x3FFB];
	_ =	sdelay $0x3  }
0x92: {  	_ =	strace s18  }
0x93: {  	s3 =	sld [smem:$0x3FFC];
	_ =	sdelay $0x3  }
0x94: {  	_ =	strace s3  }
0x95: {  	s3 =	sld [smem:$0x3FFD];
	_ =	sdelay $0x3  }
0x96: {  	_ =	strace s3  }
0x97: {  	_ =	strace $0x8FFFFFFF  }
0x98: {  	s19 =	sld [smem:$0x3FDB];
	_ =	sdelay $0x1  }
0x99: {  	s4 =	simm.s32 $_scs_section_size  }
0x9a: {  	s5 =	simm.s32 $_size__tile_overlayer_lowered;
	s6 =	simm.s32 $_tile_overlayer_lowered  }
0x9b: {  	s22 =	simm.s32 $0x1BFF;
	s21 =	sshll.u32 s6, $0x1;
	s3 =	sadd.s32 s4, s19  }
0x9c: {  	s7 =	simm.s32 $0x0;
	s20 =	sshll.u32 s5, $0x1;
	s5 =	sadd.s32 s21, s3  }
0x9d: {  	[timem:s7], [sflag:s22] =	dma.local [hbm:s5], s20  }
0x9e: {  	_ =	swait.ge [sflag:s22], s20  }
0x9f: {  	s4 =	ssub.s32 $0x0, s20;
	[sflag:s22] =	ssyncset.done $0x0  }
0xa0: {  	[sflag:s22] =	ssyncadd.s32 s4;
	_ =	sdelay $0x1  }
0xa1: {  	s23 =	simm.s32 $0x1B8B  }
0xa2: {  	_ =	swait.ge [sflag:s23], $0x1  }
0xa3: {  	[sflag:s23] =	ssyncset.done $0x0  }
0xa4: {  	s25 =	simm.s32 $0x1B8E;
	s24 =	sld [smem:$0x3FFE];
	[sflag:s23] =	ssyncadd.s32 $0xFFFFFFFF  }
0xa5: {  	s26 =	simm.s32 $execute0_lowered;
	[smem:$0x3FD2] =	sst s25  }
0xa6: {  	s5 =	sshll.u32 s26, $0x1;
	_ =	strace $0x80000049;
	[dreg:$0x1] =	wrdreg $0xFFFFFFFF  }
0xa7: {  	s28 =	simm.s32 $_size_execute0_lowered;
	s3 =	sadd.s32 s3, s5;
	[dreg:$0x0] =	wrdreg $0x0  }
0xa8: {  	s5 =	sshll.u32 s28, $0x1;
	[dreg:$0x2] =	wrdreg s3  }
0xa9: {  	[dreg:$0x3] =	wrdreg s5  }
0xaa: {  	[dreg:$0x4] =	wrdreg $0xC0  }
0xab: {  	_ =	task [dreg:s7], $0x5FFFF  }
0xac: {  	[dreg:$0x1] =	wrdreg $0xFFFFFFFF  }
0xad: {  	[dreg:$0x0] =	wrdreg $0x60  }
0xae: {  	[dreg:$0x2] =	wrdreg s24  }
0xaf: {  	[dreg:$0x3] =	wrdreg s2  }
0xb0: {  	[dreg:$0x4] =	wrdreg $0x0  }
0xb1: {  	[dreg:$0x5] =	wrdreg $0x9  }
0xb2: {  	_ =	task.clear_ibuf [dreg:s7], $0x6FFFF;
	_ =	strace $0x90000049  }
0xb3: {  	s29 =	simm.s32 $0x9;
	_ =	strace $0x8000004B  }
0xb4: {  	_ =	swait.ge [sflag:s29], $0x1  }
0xb5: {  	[sflag:s29] =	ssyncadd.s32 $0xFFFFFFFF  }
0xb6: {  	_ =	strace $0x9000004B  }
0xb7: {  	_ =	sfence  }
0xb8: {  	s30 =	sld [smem:$0x0];
	_ =	sdelay $0x2  }
0xb9: {  	s31 =	sshll.u32 s1, $0xD;
	s1 =	sshrl.u32 s1, $0x2  }
0xba: {  	s3 =	sand.u32 $0x4000, s31;
	s1 =	sadd.s32 s1, s30  }
0xbb: {  	s0 =	sor.u32 s3, s0;
	s1 =	sshll.u32 s1, $0x11  }
0xbc: {  	s0 =	sor.u32 s1, s0  }
0xbd: {  	s0 =	sadd.s32 $0x8F2B, s0  }
0xbe: {  	[sflag:s0] =	ssyncadd.remote.s32 $0x1  }
0xbf: {  	_ =	sfence.sel $0xFFFF  }
0xc0: {  	[dreg:$0x0] =	wrdreg $0xFFFFFFFF;
	(pc) =	sbr.abs _section_cstart, $3  }
0xc1: {  	[dreg:$0x1] =	wrdreg $0xFFFFFFFF  }
0xc2: {  	_ =	task.clear_ibuf [dreg:s7], $0x2FFFF;
	_ =	strace $0x9FFFFFFF  }
0xc3: {  	(tm) =	ssettm $0x7FFFFFFF  }
tec
execute0_lowered:
.L_overlay_start_1:
0x0: {  	(tag) =	ssettag $0x1  }
0x1: {  	s6 =	rddreg [dreg:$0x0]  }
0x2: {  	s0 =	srdreg.scid;
	s9 =	rddreg [dreg:$0x1]  }
0x3: {  	s2 =	rddreg [dreg:$0x2];
	s7 =	sand.u32 $0x1, s0  }
0x4: {  	s0 =	stileid.u32;
	s4 =	smul.u32 $0x28000, s7  }
0x5: {  	s1 =	rddreg [dreg:$0x3];
	s3 =	simm.s32 $0x0;
	s5 =	smul.u32 $0x2800, s0  }
0x6: {  	s16 =	simm.s32 $0x7900;
	s17 =	simm.s32 $0x1;
	s8 =	smul.u32 $0x7800, s0  }
0x7: {  	s18 =	simm.s32 $0x0;
	[smem:$0x7FF] =	sst s3;
	s30 =	smul.u32 $0x78000, s7  }
0x8: {  	_ =	strace $0x8000004A;
	s7 =	ssub.s32 $0x2, s7;
	s13 =	sshll.u32 s0, $0x6  }
0x9: {  	s31 =	sshrl.u32 s7, $0x1;
	s4 =	sadd.s32 s5, s4;
	s12 =	sadd.s32 s8, s30  }
0xa: {  	s5 =	sadd.s32 $0x1B000, s6;
	s14 =	ssub.s32 s7, s31;
	s15 =	sadd.s32 s8, s2  }
0xb: {  	s10 =	sshrl.u32 s4, $0x3;
	s4 =	sadd.s32 $0xC000, s6;
	s12 =	sshrl.u32 s12, $0x3  }
0xc: {  	s8 =	smax.u32 s14, $0x1;
	s14 =	simm.s32 $0x7880;
	s11 =	sadd.s32 s10, s6  }
0xd: {  	s12 =	sadd.s32 s12, s6;
	s6 =	sor.u32 $0x1C02, s13;
	s9 =	sadd.s32 s10, s9  }
0xe: {  	s13 =	simm.s32 $0x7800;
	s7 =	sadd.s32 $0x1C000, s12;
	s10 =	sadd.s32 $0x2000, s11  }
0xf: {  	s11 =	sshrl.u32 s15, $0x3;
	s12 =	simm.s32 $0x2;
	s15 =	simm.s32 $0x80  }
.LBB2_1:
0x10: {  	[spmem:s11], [sflag:s6] =	dma.local [hbm:s5], $0xF00  }
0x11: {  	_ =	swait.ge [sflag:s12], $0xF00  }
0x12: {  	[sflag:s12] =	ssyncset.done $0x0  }
0x13: {  	[sflag:s12] =	ssyncadd.s32 $0xFFFFF100  }
0x14: {  	s19 =	sadd.s32 $0x0, s10;
	[bflag:$0x0] =	sbarrier.arrive $0xFFFF  }
0x15: {  	[tilespmem:s13], [sflag:$0x2] =	stream.linear.gather [hbm4b:s19+s3], $0x80, $0x38;
	[tilespmem:$0x9100] =	vst v63  }
0x16: {  	_ =	swait.ge [sflag:s12], $0x80  }
0x17: {  	[sflag:s12] =	ssyncset.done $0x0  }
0x18: {  	s31 =	sadd.s32 $0x0, s9;
	[sflag:s12] =	ssyncadd.s32 $0xFFFFFF80  }
0x19: {  	[tilespmem:s14], [sflag:$0x2] =	stream.linear.gather [hbm4b:s31+s3], $0x80, $0x38;
	[tilespmem:$0x9100] =	vst v63  }
0x1a: {  	_ =	swait.ge [sflag:s12], $0x80  }
0x1b: {  	[sflag:s12] =	ssyncset.done $0x0  }
0x1c: {  	[sflag:s12] =	ssyncadd.s32 $0xFFFFFF80  }
0x1d: {  	[tilespmem:s16], [sflag:$0x1] =	stream.indirect.gather [hbm4b:s4+s15], $0x30, s13, s15, $0xb8;
	[tilespmem:$0x9100] =	vst v63  }
0x1e: {  	_ =	swait.ge [sflag:s17], $0x1800  }
0x1f: {  	[sflag:s17] =	ssyncset.done $0x0  }
0x20: {  	[sflag:s17] =	ssyncadd.s32 $0xFFFFE800  }
0x21: {  	[spmem:s2] =	stream.indirect.scatter.add.f32 [tilespmem:s16], [sflag:$0x2], $0x30, s14, s15, $0xb8;
	[tilespmem:$0x9100] =	vst v63  }
0x22: {  	_ =	swait.ge [sflag:s12], $0x1800  }
0x23: {  	s20 =	simm.s32 $0x20;
	s19 =	simm.s32 $0x10;
	[sflag:s12] =	ssyncset.done $0x0  }
.LBB2_2:
0x24: {  	s21 =	sadd.s32 s19, s10  }
0x25: {  	[sflag:s12] =	ssyncadd.s32 $0xFFFFE800;
	s22 =	smov.u32 s20;
	s23 =	sadd.s32 $0x10, s20  }
0x26: {  	[tilespmem:s13], [sflag:$0x2] =	stream.linear.gather [hbm4b:s21+s3], $0x80, $0x38;
	[tilespmem:$0x9100] =	vst v63  }
0x27: {  	p0 =	sne.s32 s20, $0x4F0;
	_ =	swait.ge [sflag:s12], $0x80  }
0x28: {  	[sflag:s12] =	ssyncset.done $0x0  }
0x29: {  	s20 =	sadd.s32 s19, s9;
	s19 =	smov.u32 s22;
	[sflag:s12] =	ssyncadd.s32 $0xFFFFFF80  }
0x2a: {  	[tilespmem:s14], [sflag:$0x2] =	stream.linear.gather [hbm4b:s20+s3], $0x80, $0x38;
	[tilespmem:$0x9100] =	vst v63  }
0x2b: {  	_ =	swait.ge [sflag:s12], $0x80  }
0x2c: {  	[sflag:s12] =	ssyncset.done $0x0  }
0x2d: {  	[sflag:s12] =	ssyncadd.s32 $0xFFFFFF80  }
0x2e: {  	[tilespmem:s16], [sflag:$0x1] =	stream.indirect.gather [hbm4b:s4+s15], $0x30, s13, s15, $0xb8;
	[tilespmem:$0x9100] =	vst v63  }
0x2f: {  	_ =	swait.ge [sflag:s17], $0x1800  }
.Ltmp0:
0x30: {  	[sflag:s17] =	ssyncset.done $0x0;
	(pc) =	sbr.rel @p0 .LBB2_2-.Ltmp0, $4  }
0x31: {  	[sflag:s17] =	ssyncadd.s32 $0xFFFFE800  }
0x32: {  	[spmem:s2] =	stream.indirect.scatter.add.f32 [tilespmem:s16], [sflag:$0x2], $0x30, s14, s15, $0xb8;
	[tilespmem:$0x9100] =	vst v63  }
0x33: {  	_ =	swait.ge [sflag:s12], $0x1800  }
0x34: {  	s20 =	smov.u32 s23;
	[sflag:s12] =	ssyncset.done $0x0  }
0x35: {  	s20 =	sadd.s32 s19, s10;
	[sflag:s12] =	ssyncadd.s32 $0xFFFFE800  }
0x36: {  	[tilespmem:s13], [sflag:$0x2] =	stream.linear.gather [hbm4b:s20+s3], $0x80, $0x38;
	[tilespmem:$0x9100] =	vst v63  }
0x37: {  	_ =	swait.ge [sflag:s12], $0x80  }
0x38: {  	[sflag:s12] =	ssyncset.done $0x0  }
0x39: {  	s31 =	sadd.s32 s19, s9;
	[sflag:s12] =	ssyncadd.s32 $0xFFFFFF80  }
0x3a: {  	[tilespmem:s14], [sflag:$0x2] =	stream.linear.gather [hbm4b:s31+s3], $0x80, $0x38;
	[tilespmem:$0x9100] =	vst v63  }
0x3b: {  	_ =	swait.ge [sflag:s12], $0x80  }
0x3c: {  	[sflag:s12] =	ssyncset.done $0x0  }
0x3d: {  	[sflag:s12] =	ssyncadd.s32 $0xFFFFFF80  }
0x3e: {  	[tilespmem:s16], [sflag:$0x1] =	stream.indirect.gather [hbm4b:s4+s15], $0x30, s13, s15, $0xb8;
	[tilespmem:$0x9100] =	vst v63  }
0x3f: {  	_ =	swait.ge [sflag:s17], $0x1800  }
0x40: {  	[sflag:s17] =	ssyncset.done $0x0  }
0x41: {  	[sflag:s17] =	ssyncadd.s32 $0xFFFFE800  }
0x42: {  	[spmem:s2] =	stream.indirect.scatter.add.f32 [tilespmem:s16], [sflag:$0x2], $0x30, s14, s15, $0xb8;
	[tilespmem:$0x9100] =	vst v63  }
0x43: {  	_ =	swait.ge [sflag:s12], $0x1800  }
0x44: {  	s18 =	sadd.s32 $0x1, s18;
	[sflag:s12] =	ssyncset.done $0x0  }
0x45: {  	p0 =	sne.s32 s18, s8;
	[sflag:s12] =	ssyncadd.s32 $0xFFFFE800  }
.Ltmp1:
0x46: {  	[bflag:$0x0] =	sbarrier.arrive $0xFFFF;
	(pc) =	sbr.rel @p0 .LBB2_1-.Ltmp1, $4  }
0x47: {  	[hbm:s7], [sflag:s6] =	dma.local [spmem:s11], $0xF00  }
0x48: {  	_ =	swait.ge [sflag:s12], $0xF00  }
0x49: {  	[sflag:s12] =	ssyncset.done $0x0  }
0x4a: {  	[sflag:s12] =	ssyncadd.s32 $0xFFFFF100  }
0x4b: {  	_ =	sfence.sel $0x180000  }
0x4c: {  	[bflag:$0x0] =	sbarrier.arrive $0xFFFF  }
0x4d: {  	p0 =	sne.s32 s0, $0x0;
	_ =	strace $0x9000004A  }
0x4e: {  	s0 =	sadd.s32 @!p0 $0x100000, s1;
	[bflag:$0x2] =	sbarrier.arrive $0xFFFF  }
0x4f: {  	[sflag:s0] =	ssyncadd.tile.s32 @!p0 $0x1;
	_ =	shalt  }
.Lfunc_end2:
_tile_overlayer_lowered:
.L_overlay_start_2:
0x50: {  	(tag) =	ssettag $0x2  }
0x51: {  	s0 =	rddreg [dreg:$0x0];
	s2 =	stileid.u32  }
0x52: {  	s1 =	rddreg [dreg:$0x1];
	p0 =	sne.s32 s2, $0x0  }
0x53: {  	s3 =	rddreg [dreg:$0x2];
	[bflag:$0x3] =	sbarrier.arrive $0xFFFF;
	s2 =	simm.s32 @!p0 $0x1C02  }
0x54: {  	[timem:s3], [sflag:s2] =	dma.local @!p0 [hbm:s0], s1  }
0x55: {  	s0 =	simm.s32 @!p0 $0x2  }
0x56: {  	_ =	swait.ge @!p0 [sflag:s0], s1  }
0x57: {  	s1 =	ssub.s32 @!p0 $0x0, s1;
	[sflag:s0] =	ssyncset.done @!p0 $0x0  }
0x58: {  	[sflag:s0] =	ssyncadd.s32 @!p0 s1  }
0x59: {  	[bflag:$0x3] =	sbarrier.arrive $0xFFFF  }
0x5a: {  	_ =	shalt  }

// kernel: kernel.14.cloned.1.call-start
scs
__scs_entry_jumppad:
0x0: {  	(pc) =	sbr.rel $0x88, $3  }
0x1: {  	(tag) =	ssettag $0x0;
	lr =	simm.s32 $0x1  }
0x2: {  	[smem:$0x3F9D] =	sst lr;
	_ =	strace $0xD0000000  }
0x3: {  	_ = 	snop  }
0x4: {  	_ = 	snop  }
0x5: {  	_ = 	snop  }
0x6: {  	_ = 	snop  }
0x7: {  	_ = 	snop  }
__scs_overlays_trampoline_lowered:
0x8: {  	[smem:$0x3FAC] =	sst s0  }
0x9: {  	[smem:$0x3FAD] =	sst s1  }
0xa: {  	[smem:$0x3FAE] =	sst s2  }
0xb: {  	[smem:$0x3FAF] =	sst s3  }
0xc: {  	[smem:$0x3FB0] =	sst s4  }
0xd: {  	[smem:$0x3FB1] =	sst s5  }
0xe: {  	[smem:$0x3FB2] =	sst s6  }
0xf: {  	[smem:$0x3FB3] =	sst s7  }
0x10: {  	[smem:$0x3FB4] =	sst s8  }
0x11: {  	[smem:$0x3FB5] =	sst s9;
	s0 =	simm.s32 @!p0 $0x0  }
0x12: {  	s1 =	sld [smem:$0x3F9B];
	s0 =	simm.s32 @p0 $0x1  }
0x13: {  	[smem:$0x3FB6] =	sst s0;
	s0 =	simm.s32 @!p1 $0x0  }
0x14: {  	s2 =	sld [smem:$0x3F9A];
	s0 =	simm.s32 @p1 $0x1  }
0x15: {  	[smem:$0x3FB7] =	sst s0;
	s0 =	simm.s32 @!p2 $0x0  }
0x16: {  	s3 =	sld [smem:$0x3FDB];
	s0 =	simm.s32 @p2 $0x1  }
0x17: {  	s4 =	simm.s32 $0x1BF5;
	[smem:$0x3FB9] =	sst s0  }
0x18: {  	s0 =	sld [smem:$0x3F9C];
	_ =	swait.ge [sflag:s4], $0x0  }
0x19: {  	s7 =	sld [smem:$0x3F9D]  }
0x1a: {  	s8 =	sadd.s32 $0xFFFFE003, lr  }
0x1b: {  	s9 =	sadd.s32 $0xFFFFFEF7, lr;
	s5 =	simm.s32 $0xFFFFFFFF;
	p2 =	slt.u32 s8, $0xFFFFF086  }
0x1c: {  	p1 =	slt.u32 s9, $0xF7A;
	s5 =	simm.s32 @!p2 $0x0  }
0x1d: {  	s5 =	simm.s32 @p1 $0x1;
	p0 =	seq.s32 s7, s2  }
0x1e: {  	s7 =	smul.u32 @!p0 $0xF7A, s2;
	p2 =	seq.s32 @!p0 s5, $0x0  }
0x1f: {  	s9 =	smul.u32 $0xF7A, s1;
	s8 =	simm.s32 @!p0 $0x1BF5;
	p2 =	por !p2, p0  }
0x20: {  	[sflag:s8] =	ssyncset.s32 @!p0 $0xFFFFF086;
	s6 =	sadd.s32 @!p0 s3, s7;
	s7 =	simm.s32 @!p0 $0x108  }
0x21: {  	s3 =	sadd.s32 s3, s9;
	s6 =	sadd.s32 @!p0 $0x88, s6;
	s7 =	simm.s32 @p2 $0x1082  }
0x22: {  	[simem:s7], [sflag:s8] =	dma.local @!p0 [hbm:s6], $0xF7A  }
0x23: {  	s9 =	sor.u32 $0xD0000000, s2;
	s6 =	simm.s32 $0x108;
	_ =	swait.ge @!p0 [sflag:s8], $0x0  }
0x24: {  	s3 =	sadd.s32 $0x88, s3;
	s6 =	simm.s32 @!p1 $0x1082;
	[sflag:s4] =	ssyncset.s32 $0xFFFFF086  }
0x25: {  	[simem:s6], [sflag:s4] =	dma.local [hbm:s3], $0xF7A  }
0x26: {  	[smem:$0x3F9D] =	sst s1;
	(tag) =	ssettag s2;
	_ =	strace s9  }
0x27: {  	s1 =	sld [smem:$0x3FAD]  }
0x28: {  	s2 =	sld [smem:$0x3FAE]  }
0x29: {  	s4 =	sld [smem:$0x3FB0]  }
0x2a: {  	p0 =	seq.s32 s5, $0x0;
	s5 =	sld [smem:$0x3FB1]  }
0x2b: {  	s6 =	sld [smem:$0x3FB2]  }
0x2c: {  	s7 =	sld [smem:$0x3FB3]  }
0x2d: {  	s3 =	simm.s32 $0x108;
	s8 =	sld [smem:$0x3FB4]  }
0x2e: {  	s3 =	simm.s32 @!p0 $0x1082;
	s9 =	sld [smem:$0x3FB5]  }
0x2f: {  	lr =	sadd.s32 s0, s3;
	s0 =	sld [smem:$0x3FAC]  }
0x30: {  	s3 =	sld [smem:$0x3FAF]  }
0x31: {  	[smem:$0x3FB8] =	sst s10  }
0x32: {  	s10 =	sld [smem:$0x3FB6];
	_ =	sdelay $0x3  }
0x33: {  	p0 =	seq.s32 s10, $0x1;
	s10 =	sld [smem:$0x3FB8];
	_ =	sdelay $0x3  }
0x34: {  	[smem:$0x3FB8] =	sst s10  }
0x35: {  	s10 =	sld [smem:$0x3FB7];
	_ =	sdelay $0x3  }
0x36: {  	p1 =	seq.s32 s10, $0x1;
	s10 =	sld [smem:$0x3FB8];
	_ =	sdelay $0x3  }
0x37: {  	[smem:$0x3FB8] =	sst s10  }
0x38: {  	s10 =	sld [smem:$0x3FB9]  }
0x39: {  	_ = 	snop;
	(pc) =	sbr.ind lr, $3  }
0x3a: {  	_ = 	snop  }
0x3b: {  	_ = 	snop  }
0x3c: {  	p2 =	seq.s32 s10, $0x1;
	s10 =	sld [smem:$0x3FB8]  }
0x3d: {  	_ =	shalt  }
0x3e: {  	_ =	shalt  }
0x3f: {  	_ =	shalt  }
0x40: {  	_ =	shalt  }
0x41: {  	_ =	shalt  }
0x42: {  	_ =	shalt  }
0x43: {  	_ =	shalt  }
0x44: {  	_ =	shalt  }
0x45: {  	_ =	shalt  }
0x46: {  	_ =	shalt  }
0x47: {  	_ =	shalt  }
0x48: {  	_ =	shalt  }
0x49: {  	_ =	shalt  }
0x4a: {  	_ =	shalt  }
0x4b: {  	_ =	shalt  }
0x4c: {  	_ =	shalt  }
0x4d: {  	_ =	shalt  }
0x4e: {  	_ =	shalt  }
0x4f: {  	_ =	shalt  }
0x50: {  	_ =	shalt  }
0x51: {  	_ =	shalt  }
0x52: {  	_ =	shalt  }
0x53: {  	_ =	shalt  }
0x54: {  	_ =	shalt  }
0x55: {  	_ =	shalt  }
0x56: {  	_ =	shalt  }
0x57: {  	_ =	shalt  }
0x58: {  	_ =	shalt  }
0x59: {  	_ =	shalt  }
0x5a: {  	_ =	shalt  }
0x5b: {  	_ =	shalt  }
0x5c: {  	_ =	shalt  }
0x5d: {  	_ =	shalt  }
0x5e: {  	_ =	shalt  }
0x5f: {  	_ =	shalt  }
0x60: {  	_ =	shalt  }
0x61: {  	_ =	shalt  }
0x62: {  	_ =	shalt  }
0x63: {  	_ =	shalt  }
0x64: {  	_ =	shalt  }
0x65: {  	_ =	shalt  }
0x66: {  	_ =	shalt  }
0x67: {  	_ =	shalt  }
0x68: {  	_ =	shalt  }
0x69: {  	_ =	shalt  }
0x6a: {  	_ =	shalt  }
0x6b: {  	_ =	shalt  }
0x6c: {  	_ =	shalt  }
0x6d: {  	_ =	shalt  }
0x6e: {  	_ =	shalt  }
0x6f: {  	_ =	shalt  }
0x70: {  	_ =	shalt  }
0x71: {  	_ =	shalt  }
0x72: {  	_ =	shalt  }
0x73: {  	_ =	shalt  }
0x74: {  	_ =	shalt  }
0x75: {  	_ =	shalt  }
0x76: {  	_ =	shalt  }
0x77: {  	_ =	shalt  }
0x78: {  	_ =	shalt  }
0x79: {  	_ =	shalt  }
0x7a: {  	_ =	shalt  }
0x7b: {  	_ =	shalt  }
0x7c: {  	_ =	shalt  }
0x7d: {  	_ =	shalt  }
0x7e: {  	_ =	shalt  }
0x7f: {  	_ =	shalt  }
0x80: {  	_ =	shalt  }
0x81: {  	_ =	shalt  }
0x82: {  	_ =	shalt  }
0x83: {  	_ =	shalt  }
0x84: {  	_ =	shalt  }
0x85: {  	_ =	shalt  }
0x86: {  	_ =	shalt  }
0x87: {  	_ =	shalt  }
.Lfunc_end0:
.L_simem_size_0:
called_computation.2_lowered:
.L_overlay_start_0:
0x88: {  	s2 =	sld [smem:$0x3FD9]  }
0x89: {  	s3 =	sld [smem:$0x3FFE];
	_ =	sdelay $0x1  }
0x8a: {  	s1 =	srdreg.scid  }
0x8b: {  	s0 =	sand.u32 $0x1, s1  }
0x8c: {  	s17 =	sshll.u32 s0, $0xA;
	s2 =	sadd.s32 s3, s2  }
0x8d: {  	s2 =	sadd.s32 s2, s17  }
0x8e: {  	[smem:$0x3FC4] =	sst s2  }
0x8f: {  	_ = 	snop  }
0x90: {  	s2 =	sld [smem:$0x3FD0];
	(tm) =	ssettm $0x1  }
0x91: {  	s18 =	sld [smem:$0x3FFB];
	_ =	sdelay $0x3  }
0x92: {  	_ =	strace s18  }
0x93: {  	s3 =	sld [smem:$0x3FFC];
	_ =	sdelay $0x3  }
0x94: {  	_ =	strace s3  }
0x95: {  	s3 =	sld [smem:$0x3FFD];
	_ =	sdelay $0x3  }
0x96: {  	_ =	strace s3  }
0x97: {  	_ =	strace $0x8FFFFFFF  }
0x98: {  	s19 =	sld [smem:$0x3FDB];
	_ =	sdelay $0x1  }
0x99: {  	s4 =	simm.s32 $_scs_section_size  }
0x9a: {  	s5 =	simm.s32 $_size__tile_overlayer_lowered;
	s6 =	simm.s32 $_tile_overlayer_lowered  }
0x9b: {  	s22 =	simm.s32 $0x1BFF;
	s21 =	sshll.u32 s6, $0x1;
	s3 =	sadd.s32 s4, s19  }
0x9c: {  	s7 =	simm.s32 $0x0;
	s20 =	sshll.u32 s5, $0x1;
	s5 =	sadd.s32 s21, s3  }
0x9d: {  	[timem:s7], [sflag:s22] =	dma.local [hbm:s5], s20  }
0x9e: {  	_ =	swait.ge [sflag:s22], s20  }
0x9f: {  	s4 =	ssub.s32 $0x0, s20;
	[sflag:s22] =	ssyncset.done $0x0  }
0xa0: {  	[sflag:s22] =	ssyncadd.s32 s4;
	_ =	sdelay $0x1  }
0xa1: {  	s23 =	simm.s32 $0x1B8B  }
0xa2: {  	_ =	swait.ge [sflag:s23], $0x1  }
0xa3: {  	[sflag:s23] =	ssyncset.done $0x0  }
0xa4: {  	s25 =	simm.s32 $0x1B8E;
	s24 =	sld [smem:$0x3FFE];
	[sflag:s23] =	ssyncadd.s32 $0xFFFFFFFF  }
0xa5: {  	s26 =	simm.s32 $execute0_lowered;
	[smem:$0x3FD2] =	sst s25  }
0xa6: {  	s5 =	sshll.u32 s26, $0x1;
	_ =	strace $0x8000004C;
	[dreg:$0x1] =	wrdreg $0xFFFFFFFF  }
0xa7: {  	s28 =	simm.s32 $_size_execute0_lowered;
	s3 =	sadd.s32 s3, s5;
	[dreg:$0x0] =	wrdreg $0x0  }
0xa8: {  	s5 =	sshll.u32 s28, $0x1;
	[dreg:$0x2] =	wrdreg s3  }
0xa9: {  	[dreg:$0x3] =	wrdreg s5  }
0xaa: {  	[dreg:$0x4] =	wrdreg $0xC0  }
0xab: {  	_ =	task [dreg:s7], $0x5FFFF  }
0xac: {  	[dreg:$0x1] =	wrdreg $0xFFFFFFFF  }
0xad: {  	[dreg:$0x0] =	wrdreg $0x60  }
0xae: {  	[dreg:$0x2] =	wrdreg s24  }
0xaf: {  	[dreg:$0x3] =	wrdreg s2  }
0xb0: {  	[dreg:$0x4] =	wrdreg $0x0  }
0xb1: {  	[dreg:$0x5] =	wrdreg $0x9  }
0xb2: {  	_ =	task.clear_ibuf [dreg:s7], $0x6FFFF;
	_ =	strace $0x9000004C  }
0xb3: {  	s29 =	simm.s32 $0x9;
	_ =	strace $0x8000004E  }
0xb4: {  	_ =	swait.ge [sflag:s29], $0x1  }
0xb5: {  	[sflag:s29] =	ssyncadd.s32 $0xFFFFFFFF  }
0xb6: {  	_ =	strace $0x9000004E  }
0xb7: {  	_ =	sfence  }
0xb8: {  	s30 =	sld [smem:$0x0];
	_ =	sdelay $0x2  }
0xb9: {  	s31 =	sshll.u32 s1, $0xD;
	s1 =	sshrl.u32 s1, $0x2  }
0xba: {  	s3 =	sand.u32 $0x4000, s31;
	s1 =	sadd.s32 s1, s30  }
0xbb: {  	s0 =	sor.u32 s3, s0;
	s1 =	sshll.u32 s1, $0x11  }
0xbc: {  	s0 =	sor.u32 s1, s0  }
0xbd: {  	s0 =	sadd.s32 $0x8F2B, s0  }
0xbe: {  	[sflag:s0] =	ssyncadd.remote.s32 $0x1  }
0xbf: {  	_ =	sfence.sel $0xFFFF  }
0xc0: {  	[dreg:$0x0] =	wrdreg $0xFFFFFFFF;
	(pc) =	sbr.abs _section_cstart, $3  }
0xc1: {  	[dreg:$0x1] =	wrdreg $0xFFFFFFFF  }
0xc2: {  	_ =	task.clear_ibuf [dreg:s7], $0x2FFFF;
	_ =	strace $0x9FFFFFFF  }
0xc3: {  	(tm) =	ssettm $0x7FFFFFFF  }
tec
execute0_lowered:
.L_overlay_start_1:
0x0: {  	(tag) =	ssettag $0x1  }
0x1: {  	s6 =	rddreg [dreg:$0x0]  }
0x2: {  	s0 =	srdreg.scid;
	s9 =	rddreg [dreg:$0x1]  }
0x3: {  	s2 =	rddreg [dreg:$0x2];
	s7 =	sand.u32 $0x1, s0  }
0x4: {  	s0 =	stileid.u32;
	s4 =	smul.u32 $0x28000, s7  }
0x5: {  	s1 =	rddreg [dreg:$0x3];
	s3 =	simm.s32 $0x0;
	s5 =	smul.u32 $0x2800, s0  }
0x6: {  	s16 =	simm.s32 $0x7900;
	s17 =	simm.s32 $0x1;
	s8 =	smul.u32 $0x7800, s0  }
0x7: {  	s18 =	simm.s32 $0x0;
	[smem:$0x7FF] =	sst s3;
	s30 =	smul.u32 $0x78000, s7  }
0x8: {  	_ =	strace $0x8000004D;
	s7 =	ssub.s32 $0x2, s7;
	s13 =	sshll.u32 s0, $0x6  }
0x9: {  	s31 =	sshrl.u32 s7, $0x1;
	s4 =	sadd.s32 s5, s4;
	s12 =	sadd.s32 s8, s30  }
0xa: {  	s5 =	sadd.s32 $0x1B000, s6;
	s14 =	ssub.s32 s7, s31;
	s15 =	sadd.s32 s8, s2  }
0xb: {  	s10 =	sshrl.u32 s4, $0x3;
	s4 =	sadd.s32 $0xC000, s6;
	s12 =	sshrl.u32 s12, $0x3  }
0xc: {  	s8 =	smax.u32 s14, $0x1;
	s14 =	simm.s32 $0x7880;
	s11 =	sadd.s32 s10, s6  }
0xd: {  	s12 =	sadd.s32 s12, s6;
	s6 =	sor.u32 $0x1C02, s13;
	s9 =	sadd.s32 s10, s9  }
0xe: {  	s13 =	simm.s32 $0x7800;
	s7 =	sadd.s32 $0x1C000, s12;
	s10 =	sadd.s32 $0x2000, s11  }
0xf: {  	s11 =	sshrl.u32 s15, $0x3;
	s12 =	simm.s32 $0x2;
	s15 =	simm.s32 $0x80  }
.LBB2_1:
0x10: {  	[spmem:s11], [sflag:s6] =	dma.local [hbm:s5], $0xF00  }
0x11: {  	_ =	swait.ge [sflag:s12], $0xF00  }
0x12: {  	[sflag:s12] =	ssyncset.done $0x0  }
0x13: {  	[sflag:s12] =	ssyncadd.s32 $0xFFFFF100  }
0x14: {  	s19 =	sadd.s32 $0x0, s10;
	[bflag:$0x0] =	sbarrier.arrive $0xFFFF  }
0x15: {  	[tilespmem:s13], [sflag:$0x2] =	stream.linear.gather [hbm4b:s19+s3], $0x80, $0x38;
	[tilespmem:$0x9100] =	vst v63  }
0x16: {  	_ =	swait.ge [sflag:s12], $0x80  }
0x17: {  	[sflag:s12] =	ssyncset.done $0x0  }
0x18: {  	s31 =	sadd.s32 $0x0, s9;
	[sflag:s12] =	ssyncadd.s32 $0xFFFFFF80  }
0x19: {  	[tilespmem:s14], [sflag:$0x2] =	stream.linear.gather [hbm4b:s31+s3], $0x80, $0x38;
	[tilespmem:$0x9100] =	vst v63  }
0x1a: {  	_ =	swait.ge [sflag:s12], $0x80  }
0x1b: {  	[sflag:s12] =	ssyncset.done $0x0  }
0x1c: {  	[sflag:s12] =	ssyncadd.s32 $0xFFFFFF80  }
0x1d: {  	[tilespmem:s16], [sflag:$0x1] =	stream.indirect.gather [hbm4b:s4+s15], $0x30, s13, s15, $0xb8;
	[tilespmem:$0x9100] =	vst v63  }
0x1e: {  	_ =	swait.ge [sflag:s17], $0x1800  }
0x1f: {  	[sflag:s17] =	ssyncset.done $0x0  }
0x20: {  	[sflag:s17] =	ssyncadd.s32 $0xFFFFE800  }
0x21: {  	[spmem:s2] =	stream.indirect.scatter.add.f32 [tilespmem:s16], [sflag:$0x2], $0x30, s14, s15, $0xb8;
	[tilespmem:$0x9100] =	vst v63  }
0x22: {  	_ =	swait.ge [sflag:s12], $0x1800  }
0x23: {  	s20 =	simm.s32 $0x20;
	s19 =	simm.s32 $0x10;
	[sflag:s12] =	ssyncset.done $0x0  }
.LBB2_2:
0x24: {  	s21 =	sadd.s32 s19, s10  }
0x25: {  	[sflag:s12] =	ssyncadd.s32 $0xFFFFE800;
	s22 =	smov.u32 s20;
	s23 =	sadd.s32 $0x10, s20  }
0x26: {  	[tilespmem:s13], [sflag:$0x2] =	stream.linear.gather [hbm4b:s21+s3], $0x80, $0x38;
	[tilespmem:$0x9100] =	vst v63  }
0x27: {  	p0 =	sne.s32 s20, $0x4F0;
	_ =	swait.ge [sflag:s12], $0x80  }
0x28: {  	[sflag:s12] =	ssyncset.done $0x0  }
0x29: {  	s20 =	sadd.s32 s19, s9;
	s19 =	smov.u32 s22;
	[sflag:s12] =	ssyncadd.s32 $0xFFFFFF80  }
0x2a: {  	[tilespmem:s14], [sflag:$0x2] =	stream.linear.gather [hbm4b:s20+s3], $0x80, $0x38;
	[tilespmem:$0x9100] =	vst v63  }
0x2b: {  	_ =	swait.ge [sflag:s12], $0x80  }
0x2c: {  	[sflag:s12] =	ssyncset.done $0x0  }
0x2d: {  	[sflag:s12] =	ssyncadd.s32 $0xFFFFFF80  }
0x2e: {  	[tilespmem:s16], [sflag:$0x1] =	stream.indirect.gather [hbm4b:s4+s15], $0x30, s13, s15, $0xb8;
	[tilespmem:$0x9100] =	vst v63  }
0x2f: {  	_ =	swait.ge [sflag:s17], $0x1800  }
.Ltmp0:
0x30: {  	[sflag:s17] =	ssyncset.done $0x0;
	(pc) =	sbr.rel @p0 .LBB2_2-.Ltmp0, $4  }
0x31: {  	[sflag:s17] =	ssyncadd.s32 $0xFFFFE800  }
0x32: {  	[spmem:s2] =	stream.indirect.scatter.add.f32 [tilespmem:s16], [sflag:$0x2], $0x30, s14, s15, $0xb8;
	[tilespmem:$0x9100] =	vst v63  }
0x33: {  	_ =	swait.ge [sflag:s12], $0x1800  }
0x34: {  	s20 =	smov.u32 s23;
	[sflag:s12] =	ssyncset.done $0x0  }
0x35: {  	s20 =	sadd.s32 s19, s10;
	[sflag:s12] =	ssyncadd.s32 $0xFFFFE800  }
0x36: {  	[tilespmem:s13], [sflag:$0x2] =	stream.linear.gather [hbm4b:s20+s3], $0x80, $0x38;
	[tilespmem:$0x9100] =	vst v63  }
0x37: {  	_ =	swait.ge [sflag:s12], $0x80  }
0x38: {  	[sflag:s12] =	ssyncset.done $0x0  }
0x39: {  	s31 =	sadd.s32 s19, s9;
	[sflag:s12] =	ssyncadd.s32 $0xFFFFFF80  }
0x3a: {  	[tilespmem:s14], [sflag:$0x2] =	stream.linear.gather [hbm4b:s31+s3], $0x80, $0x38;
	[tilespmem:$0x9100] =	vst v63  }
0x3b: {  	_ =	swait.ge [sflag:s12], $0x80  }
0x3c: {  	[sflag:s12] =	ssyncset.done $0x0  }
0x3d: {  	[sflag:s12] =	ssyncadd.s32 $0xFFFFFF80  }
0x3e: {  	[tilespmem:s16], [sflag:$0x1] =	stream.indirect.gather [hbm4b:s4+s15], $0x30, s13, s15, $0xb8;
	[tilespmem:$0x9100] =	vst v63  }
0x3f: {  	_ =	swait.ge [sflag:s17], $0x1800  }
0x40: {  	[sflag:s17] =	ssyncset.done $0x0  }
0x41: {  	[sflag:s17] =	ssyncadd.s32 $0xFFFFE800  }
0x42: {  	[spmem:s2] =	stream.indirect.scatter.add.f32 [tilespmem:s16], [sflag:$0x2], $0x30, s14, s15, $0xb8;
	[tilespmem:$0x9100] =	vst v63  }
0x43: {  	_ =	swait.ge [sflag:s12], $0x1800  }
0x44: {  	s18 =	sadd.s32 $0x1, s18;
	[sflag:s12] =	ssyncset.done $0x0  }
0x45: {  	p0 =	sne.s32 s18, s8;
	[sflag:s12] =	ssyncadd.s32 $0xFFFFE800  }
.Ltmp1:
0x46: {  	[bflag:$0x0] =	sbarrier.arrive $0xFFFF;
	(pc) =	sbr.rel @p0 .LBB2_1-.Ltmp1, $4  }
0x47: {  	[hbm:s7], [sflag:s6] =	dma.local [spmem:s11], $0xF00  }
0x48: {  	_ =	swait.ge [sflag:s12], $0xF00  }
0x49: {  	[sflag:s12] =	ssyncset.done $0x0  }
0x4a: {  	[sflag:s12] =	ssyncadd.s32 $0xFFFFF100  }
0x4b: {  	_ =	sfence.sel $0x180000  }
0x4c: {  	[bflag:$0x0] =	sbarrier.arrive $0xFFFF  }
0x4d: {  	p0 =	sne.s32 s0, $0x0;
	_ =	strace $0x9000004D  }
0x4e: {  	s0 =	sadd.s32 @!p0 $0x100000, s1;
	[bflag:$0x2] =	sbarrier.arrive $0xFFFF  }
0x4f: {  	[sflag:s0] =	ssyncadd.tile.s32 @!p0 $0x1;
	_ =	shalt  }
.Lfunc_end2:
_tile_overlayer_lowered:
.L_overlay_start_2:
0x50: {  	(tag) =	ssettag $0x2  }
0x51: {  	s0 =	rddreg [dreg:$0x0];
	s2 =	stileid.u32  }
0x52: {  	s1 =	rddreg [dreg:$0x1];
	p0 =	sne.s32 s2, $0x0  }
0x53: {  	s3 =	rddreg [dreg:$0x2];
	[bflag:$0x3] =	sbarrier.arrive $0xFFFF;
	s2 =	simm.s32 @!p0 $0x1C02  }
0x54: {  	[timem:s3], [sflag:s2] =	dma.local @!p0 [hbm:s0], s1  }
0x55: {  	s0 =	simm.s32 @!p0 $0x2  }
0x56: {  	_ =	swait.ge @!p0 [sflag:s0], s1  }
0x57: {  	s1 =	ssub.s32 @!p0 $0x0, s1;
	[sflag:s0] =	ssyncset.done @!p0 $0x0  }
0x58: {  	[sflag:s0] =	ssyncadd.s32 @!p0 s1  }
0x59: {  	[bflag:$0x3] =	sbarrier.arrive $0xFFFF  }
0x5a: {  	_ =	shalt  }

// kernel: kernel.8.cloned.1.call-start
scs
__scs_entry_jumppad:
0x0: {  	(pc) =	sbr.rel $0x88, $3  }
0x1: {  	(tag) =	ssettag $0x0;
	lr =	simm.s32 $0x1  }
0x2: {  	[smem:$0x3F9D] =	sst lr;
	_ =	strace $0xD0000000  }
0x3: {  	_ = 	snop  }
0x4: {  	_ = 	snop  }
0x5: {  	_ = 	snop  }
0x6: {  	_ = 	snop  }
0x7: {  	_ = 	snop  }
__scs_overlays_trampoline_lowered:
0x8: {  	[smem:$0x3FAC] =	sst s0  }
0x9: {  	[smem:$0x3FAD] =	sst s1  }
0xa: {  	[smem:$0x3FAE] =	sst s2  }
0xb: {  	[smem:$0x3FAF] =	sst s3  }
0xc: {  	[smem:$0x3FB0] =	sst s4  }
0xd: {  	[smem:$0x3FB1] =	sst s5  }
0xe: {  	[smem:$0x3FB2] =	sst s6  }
0xf: {  	[smem:$0x3FB3] =	sst s7  }
0x10: {  	[smem:$0x3FB4] =	sst s8  }
0x11: {  	[smem:$0x3FB5] =	sst s9;
	s0 =	simm.s32 @!p0 $0x0  }
0x12: {  	s1 =	sld [smem:$0x3F9B];
	s0 =	simm.s32 @p0 $0x1  }
0x13: {  	[smem:$0x3FB6] =	sst s0;
	s0 =	simm.s32 @!p1 $0x0  }
0x14: {  	s2 =	sld [smem:$0x3F9A];
	s0 =	simm.s32 @p1 $0x1  }
0x15: {  	[smem:$0x3FB7] =	sst s0;
	s0 =	simm.s32 @!p2 $0x0  }
0x16: {  	s3 =	sld [smem:$0x3FDB];
	s0 =	simm.s32 @p2 $0x1  }
0x17: {  	s4 =	simm.s32 $0x1BF5;
	[smem:$0x3FB9] =	sst s0  }
0x18: {  	s0 =	sld [smem:$0x3F9C];
	_ =	swait.ge [sflag:s4], $0x0  }
0x19: {  	s7 =	sld [smem:$0x3F9D]  }
0x1a: {  	s8 =	sadd.s32 $0xFFFFE003, lr  }
0x1b: {  	s9 =	sadd.s32 $0xFFFFFEF7, lr;
	s5 =	simm.s32 $0xFFFFFFFF;
	p2 =	slt.u32 s8, $0xFFFFF086  }
0x1c: {  	p1 =	slt.u32 s9, $0xF7A;
	s5 =	simm.s32 @!p2 $0x0  }
0x1d: {  	s5 =	simm.s32 @p1 $0x1;
	p0 =	seq.s32 s7, s2  }
0x1e: {  	s7 =	smul.u32 @!p0 $0xF7A, s2;
	p2 =	seq.s32 @!p0 s5, $0x0  }
0x1f: {  	s9 =	smul.u32 $0xF7A, s1;
	s8 =	simm.s32 @!p0 $0x1BF5;
	p2 =	por !p2, p0  }
0x20: {  	[sflag:s8] =	ssyncset.s32 @!p0 $0xFFFFF086;
	s6 =	sadd.s32 @!p0 s3, s7;
	s7 =	simm.s32 @!p0 $0x108  }
0x21: {  	s3 =	sadd.s32 s3, s9;
	s6 =	sadd.s32 @!p0 $0x88, s6;
	s7 =	simm.s32 @p2 $0x1082  }
0x22: {  	[simem:s7], [sflag:s8] =	dma.local @!p0 [hbm:s6], $0xF7A  }
0x23: {  	s9 =	sor.u32 $0xD0000000, s2;
	s6 =	simm.s32 $0x108;
	_ =	swait.ge @!p0 [sflag:s8], $0x0  }
0x24: {  	s3 =	sadd.s32 $0x88, s3;
	s6 =	simm.s32 @!p1 $0x1082;
	[sflag:s4] =	ssyncset.s32 $0xFFFFF086  }
0x25: {  	[simem:s6], [sflag:s4] =	dma.local [hbm:s3], $0xF7A  }
0x26: {  	[smem:$0x3F9D] =	sst s1;
	(tag) =	ssettag s2;
	_ =	strace s9  }
0x27: {  	s1 =	sld [smem:$0x3FAD]  }
0x28: {  	s2 =	sld [smem:$0x3FAE]  }
0x29: {  	s4 =	sld [smem:$0x3FB0]  }
0x2a: {  	p0 =	seq.s32 s5, $0x0;
	s5 =	sld [smem:$0x3FB1]  }
0x2b: {  	s6 =	sld [smem:$0x3FB2]  }
0x2c: {  	s7 =	sld [smem:$0x3FB3]  }
0x2d: {  	s3 =	simm.s32 $0x108;
	s8 =	sld [smem:$0x3FB4]  }
0x2e: {  	s3 =	simm.s32 @!p0 $0x1082;
	s9 =	sld [smem:$0x3FB5]  }
0x2f: {  	lr =	sadd.s32 s0, s3;
	s0 =	sld [smem:$0x3FAC]  }
0x30: {  	s3 =	sld [smem:$0x3FAF]  }
0x31: {  	[smem:$0x3FB8] =	sst s10  }
0x32: {  	s10 =	sld [smem:$0x3FB6];
	_ =	sdelay $0x3  }
0x33: {  	p0 =	seq.s32 s10, $0x1;
	s10 =	sld [smem:$0x3FB8];
	_ =	sdelay $0x3  }
0x34: {  	[smem:$0x3FB8] =	sst s10  }
0x35: {  	s10 =	sld [smem:$0x3FB7];
	_ =	sdelay $0x3  }
0x36: {  	p1 =	seq.s32 s10, $0x1;
	s10 =	sld [smem:$0x3FB8];
	_ =	sdelay $0x3  }
0x37: {  	[smem:$0x3FB8] =	sst s10  }
0x38: {  	s10 =	sld [smem:$0x3FB9]  }
0x39: {  	_ = 	snop;
	(pc) =	sbr.ind lr, $3  }
0x3a: {  	_ = 	snop  }
0x3b: {  	_ = 	snop  }
0x3c: {  	p2 =	seq.s32 s10, $0x1;
	s10 =	sld [smem:$0x3FB8]  }
0x3d: {  	_ =	shalt  }
0x3e: {  	_ =	shalt  }
0x3f: {  	_ =	shalt  }
0x40: {  	_ =	shalt  }
0x41: {  	_ =	shalt  }
0x42: {  	_ =	shalt  }
0x43: {  	_ =	shalt  }
0x44: {  	_ =	shalt  }
0x45: {  	_ =	shalt  }
0x46: {  	_ =	shalt  }
0x47: {  	_ =	shalt  }
0x48: {  	_ =	shalt  }
0x49: {  	_ =	shalt  }
0x4a: {  	_ =	shalt  }
0x4b: {  	_ =	shalt  }
0x4c: {  	_ =	shalt  }
0x4d: {  	_ =	shalt  }
0x4e: {  	_ =	shalt  }
0x4f: {  	_ =	shalt  }
0x50: {  	_ =	shalt  }
0x51: {  	_ =	shalt  }
0x52: {  	_ =	shalt  }
0x53: {  	_ =	shalt  }
0x54: {  	_ =	shalt  }
0x55: {  	_ =	shalt  }
0x56: {  	_ =	shalt  }
0x57: {  	_ =	shalt  }
0x58: {  	_ =	shalt  }
0x59: {  	_ =	shalt  }
0x5a: {  	_ =	shalt  }
0x5b: {  	_ =	shalt  }
0x5c: {  	_ =	shalt  }
0x5d: {  	_ =	shalt  }
0x5e: {  	_ =	shalt  }
0x5f: {  	_ =	shalt  }
0x60: {  	_ =	shalt  }
0x61: {  	_ =	shalt  }
0x62: {  	_ =	shalt  }
0x63: {  	_ =	shalt  }
0x64: {  	_ =	shalt  }
0x65: {  	_ =	shalt  }
0x66: {  	_ =	shalt  }
0x67: {  	_ =	shalt  }
0x68: {  	_ =	shalt  }
0x69: {  	_ =	shalt  }
0x6a: {  	_ =	shalt  }
0x6b: {  	_ =	shalt  }
0x6c: {  	_ =	shalt  }
0x6d: {  	_ =	shalt  }
0x6e: {  	_ =	shalt  }
0x6f: {  	_ =	shalt  }
0x70: {  	_ =	shalt  }
0x71: {  	_ =	shalt  }
0x72: {  	_ =	shalt  }
0x73: {  	_ =	shalt  }
0x74: {  	_ =	shalt  }
0x75: {  	_ =	shalt  }
0x76: {  	_ =	shalt  }
0x77: {  	_ =	shalt  }
0x78: {  	_ =	shalt  }
0x79: {  	_ =	shalt  }
0x7a: {  	_ =	shalt  }
0x7b: {  	_ =	shalt  }
0x7c: {  	_ =	shalt  }
0x7d: {  	_ =	shalt  }
0x7e: {  	_ =	shalt  }
0x7f: {  	_ =	shalt  }
0x80: {  	_ =	shalt  }
0x81: {  	_ =	shalt  }
0x82: {  	_ =	shalt  }
0x83: {  	_ =	shalt  }
0x84: {  	_ =	shalt  }
0x85: {  	_ =	shalt  }
0x86: {  	_ =	shalt  }
0x87: {  	_ =	shalt  }
.Lfunc_end0:
.L_simem_size_0:
called_computation_lowered:
.L_overlay_start_0:
0x88: {  	s2 =	sld [smem:$0x3FD9]  }
0x89: {  	s3 =	sld [smem:$0x3FFE];
	_ =	sdelay $0x1  }
0x8a: {  	s1 =	srdreg.scid  }
0x8b: {  	s0 =	sand.u32 $0x1, s1  }
0x8c: {  	s17 =	sshll.u32 s0, $0xA;
	s2 =	sadd.s32 s3, s2  }
0x8d: {  	s2 =	sadd.s32 s2, s17  }
0x8e: {  	[smem:$0x3FC4] =	sst s2  }
0x8f: {  	_ = 	snop  }
0x90: {  	s2 =	sld [smem:$0x3FD0];
	(tm) =	ssettm $0x1  }
0x91: {  	s18 =	sld [smem:$0x3FFB];
	_ =	sdelay $0x3  }
0x92: {  	_ =	strace s18  }
0x93: {  	s3 =	sld [smem:$0x3FFC];
	_ =	sdelay $0x3  }
0x94: {  	_ =	strace s3  }
0x95: {  	s3 =	sld [smem:$0x3FFD];
	_ =	sdelay $0x3  }
0x96: {  	_ =	strace s3  }
0x97: {  	_ =	strace $0x8FFFFFFF  }
0x98: {  	s19 =	sld [smem:$0x3FDB];
	_ =	sdelay $0x1  }
0x99: {  	s4 =	simm.s32 $_scs_section_size  }
0x9a: {  	s5 =	simm.s32 $_size__tile_overlayer_lowered;
	s6 =	simm.s32 $_tile_overlayer_lowered  }
0x9b: {  	s22 =	simm.s32 $0x1BFF;
	s21 =	sshll.u32 s6, $0x1;
	s3 =	sadd.s32 s4, s19  }
0x9c: {  	s7 =	simm.s32 $0x0;
	s20 =	sshll.u32 s5, $0x1;
	s5 =	sadd.s32 s21, s3  }
0x9d: {  	[timem:s7], [sflag:s22] =	dma.local [hbm:s5], s20  }
0x9e: {  	_ =	swait.ge [sflag:s22], s20  }
0x9f: {  	s4 =	ssub.s32 $0x0, s20;
	[sflag:s22] =	ssyncset.done $0x0  }
0xa0: {  	[sflag:s22] =	ssyncadd.s32 s4;
	_ =	sdelay $0x1  }
0xa1: {  	s23 =	simm.s32 $0x1B8B  }
0xa2: {  	_ =	swait.ge [sflag:s23], $0x1  }
0xa3: {  	[sflag:s23] =	ssyncset.done $0x0  }
0xa4: {  	s25 =	simm.s32 $0x1B8E;
	s24 =	sld [smem:$0x3FFE];
	[sflag:s23] =	ssyncadd.s32 $0xFFFFFFFF  }
0xa5: {  	s26 =	simm.s32 $execute0_lowered;
	[smem:$0x3FD2] =	sst s25  }
0xa6: {  	s5 =	sshll.u32 s26, $0x1;
	_ =	strace $0x80000046;
	[dreg:$0x1] =	wrdreg $0xFFFFFFFF  }
0xa7: {  	s28 =	simm.s32 $_size_execute0_lowered;
	s3 =	sadd.s32 s3, s5;
	[dreg:$0x0] =	wrdreg $0x0  }
0xa8: {  	s5 =	sshll.u32 s28, $0x1;
	[dreg:$0x2] =	wrdreg s3  }
0xa9: {  	[dreg:$0x3] =	wrdreg s5  }
0xaa: {  	[dreg:$0x4] =	wrdreg $0xC0  }
0xab: {  	_ =	task [dreg:s7], $0x5FFFF  }
0xac: {  	[dreg:$0x1] =	wrdreg $0xFFFFFFFF  }
0xad: {  	[dreg:$0x0] =	wrdreg $0x60  }
0xae: {  	[dreg:$0x2] =	wrdreg s2  }
0xaf: {  	[dreg:$0x3] =	wrdreg s24  }
0xb0: {  	[dreg:$0x4] =	wrdreg $0x0  }
0xb1: {  	[dreg:$0x5] =	wrdreg $0x9  }
0xb2: {  	_ =	task.clear_ibuf [dreg:s7], $0x6FFFF;
	_ =	strace $0x90000046  }
0xb3: {  	s29 =	simm.s32 $0x9;
	_ =	strace $0x80000048  }
0xb4: {  	_ =	swait.ge [sflag:s29], $0x1  }
0xb5: {  	[sflag:s29] =	ssyncadd.s32 $0xFFFFFFFF  }
0xb6: {  	_ =	strace $0x90000048  }
0xb7: {  	_ =	sfence  }
0xb8: {  	s30 =	sld [smem:$0x0];
	_ =	sdelay $0x2  }
0xb9: {  	s31 =	sshll.u32 s1, $0xD;
	s1 =	sshrl.u32 s1, $0x2  }
0xba: {  	s3 =	sand.u32 $0x4000, s31;
	s1 =	sadd.s32 s1, s30  }
0xbb: {  	s0 =	sor.u32 s3, s0;
	s1 =	sshll.u32 s1, $0x11  }
0xbc: {  	s0 =	sor.u32 s1, s0  }
0xbd: {  	s0 =	sadd.s32 $0x8F2B, s0  }
0xbe: {  	[sflag:s0] =	ssyncadd.remote.s32 $0x1  }
0xbf: {  	_ =	sfence.sel $0xFFFF  }
0xc0: {  	[dreg:$0x0] =	wrdreg $0xFFFFFFFF;
	(pc) =	sbr.abs _section_cstart, $3  }
0xc1: {  	[dreg:$0x1] =	wrdreg $0xFFFFFFFF  }
0xc2: {  	_ =	task.clear_ibuf [dreg:s7], $0x2FFFF;
	_ =	strace $0x9FFFFFFF  }
0xc3: {  	(tm) =	ssettm $0x7FFFFFFF  }
tec
execute0_lowered:
.L_overlay_start_1:
0x0: {  	(tag) =	ssettag $0x1  }
0x1: {  	s9 =	rddreg [dreg:$0x0]  }
0x2: {  	s6 =	rddreg [dreg:$0x1]  }
0x3: {  	s2 =	rddreg [dreg:$0x2]  }
0x4: {  	s0 =	rddreg [dreg:$0x3]  }
0x5: {  	s4 =	srdreg.scid;
	s1 =	stileid.u32  }
0x6: {  	s3 =	simm.s32 $0x0;
	s13 =	simm.s32 $0x280;
	s14 =	simm.s32 $0x80  }
0x7: {  	s15 =	simm.s32 $0x0;
	s5 =	sand.u32 $0x1, s4;
	s7 =	smul.u32 $0x280, s1  }
0x8: {  	[smem:$0x7FF] =	sst s3;
	s4 =	sadd.s32 $0x1400, s6;
	s12 =	smul.u32 $0x2800, s1  }
0x9: {  	s30 =	sshll.u32 s1, $0x6;
	s8 =	smul.u32 $0x2800, s5;
	_ =	strace $0x80000047  }
0xa: {  	s10 =	smul.u32 $0x28000, s5;
	s11 =	ssub.s32 $0x2, s5;
	s5 =	sadd.s32 $0x1200, s6  }
0xb: {  	s29 =	sshrl.u32 s11, $0x1;
	s31 =	sadd.s32 s7, s2;
	s8 =	sadd.s32 s7, s8  }
0xc: {  	s11 =	ssub.s32 s11, s29;
	s10 =	sadd.s32 s12, s10;
	s8 =	sshrl.u32 s8, $0x3  }
0xd: {  	s12 =	simm.s32 $0x300;
	s10 =	sshrl.u32 s10, $0x3;
	s8 =	sadd.s32 s8, s6  }
0xe: {  	s6 =	sor.u32 $0x1C01, s30;
	s9 =	sadd.s32 s10, s9;
	s10 =	sshrl.u32 s31, $0x3  }
0xf: {  	s7 =	sadd.s32 $0x1600, s8;
	s8 =	smax.u32 s11, $0x1;
	s11 =	simm.s32 $0x1  }
.LBB2_1:
0x10: {  	[spmem:s10], [sflag:s6] =	dma.local [hbm:s4], $0x50  }
0x11: {  	_ =	swait.ge [sflag:s11], $0x50  }
0x12: {  	[sflag:s11] =	ssyncset.done $0x0  }
0x13: {  	[sflag:s11] =	ssyncadd.s32 $0xFFFFFFB0  }
0x14: {  	[tilespmem:s12], [sflag:$0x1] =	stream.linear.gather [hbm4b:s5+s3], $0x80, $0x38;
	[tilespmem:$0x380] =	vst v63  }
0x15: {  	_ =	swait.ge [sflag:s11], $0x80  }
0x16: {  	[sflag:s11] =	ssyncset.done $0x0  }
0x17: {  	[sflag:s11] =	ssyncadd.s32 $0xFFFFFF80  }
0x18: {  	s16 =	sadd.s32 $0x0, s9;
	[bflag:$0x0] =	sbarrier.arrive $0xFFFF  }
0x19: {  	[tilespmem:s13], [sflag:$0x1] =	stream.linear.gather [hbm4b:s16+s3], $0x80, $0x38;
	[tilespmem:$0x380] =	vst v63  }
0x1a: {  	_ =	swait.ge [sflag:s11], $0x80  }
0x1b: {  	[sflag:s11] =	ssyncset.done $0x0  }
0x1c: {  	[sflag:s11] =	ssyncadd.s32 $0xFFFFFF80  }
0x1d: {  	[spmem:s2] =	stream.indirect.scatter.add.f32 [tilespmem:s12], [sflag:$0x1], $0x1, s13, s14, $0xb8;
	[tilespmem:$0x380] =	vst v63  }
0x1e: {  	_ =	swait.ge [sflag:s11], $0x80  }
0x1f: {  	s17 =	simm.s32 $0x20;
	s16 =	simm.s32 $0x10;
	[sflag:s11] =	ssyncset.done $0x0  }
.LBB2_2:
0x20: {  	s18 =	sadd.s32 s16, s9  }
0x21: {  	[sflag:s11] =	ssyncadd.s32 $0xFFFFFF80;
	s16 =	smov.u32 s17;
	s19 =	sadd.s32 $0x10, s17  }
0x22: {  	[tilespmem:s13], [sflag:$0x1] =	stream.linear.gather [hbm4b:s18+s3], $0x80, $0x38;
	[tilespmem:$0x380] =	vst v63  }
0x23: {  	p0 =	sne.s32 s17, $0x4F0;
	_ =	swait.ge [sflag:s11], $0x80  }
.Ltmp0:
0x24: {  	[sflag:s11] =	ssyncset.done $0x0;
	(pc) =	sbr.rel @p0 .LBB2_2-.Ltmp0, $4  }
0x25: {  	[sflag:s11] =	ssyncadd.s32 $0xFFFFFF80  }
0x26: {  	[spmem:s2] =	stream.indirect.scatter.add.f32 [tilespmem:s12], [sflag:$0x1], $0x1, s13, s14, $0xb8;
	[tilespmem:$0x380] =	vst v63  }
0x27: {  	_ =	swait.ge [sflag:s11], $0x80  }
0x28: {  	s17 =	smov.u32 s19;
	[sflag:s11] =	ssyncset.done $0x0  }
0x29: {  	s16 =	sadd.s32 s16, s9;
	[sflag:s11] =	ssyncadd.s32 $0xFFFFFF80  }
0x2a: {  	[tilespmem:s13], [sflag:$0x1] =	stream.linear.gather [hbm4b:s16+s3], $0x80, $0x38;
	[tilespmem:$0x380] =	vst v63  }
0x2b: {  	_ =	swait.ge [sflag:s11], $0x80  }
0x2c: {  	[sflag:s11] =	ssyncset.done $0x0  }
0x2d: {  	[sflag:s11] =	ssyncadd.s32 $0xFFFFFF80  }
0x2e: {  	[spmem:s2] =	stream.indirect.scatter.add.f32 [tilespmem:s12], [sflag:$0x1], $0x1, s13, s14, $0xb8;
	[tilespmem:$0x380] =	vst v63  }
0x2f: {  	_ =	swait.ge [sflag:s11], $0x80  }
0x30: {  	s15 =	sadd.s32 $0x1, s15;
	[sflag:s11] =	ssyncset.done $0x0  }
0x31: {  	p0 =	sne.s32 s15, s8;
	[sflag:s11] =	ssyncadd.s32 $0xFFFFFF80  }
.Ltmp1:
0x32: {  	[bflag:$0x0] =	sbarrier.arrive $0xFFFF;
	(pc) =	sbr.rel @p0 .LBB2_1-.Ltmp1, $4  }
0x33: {  	[hbm:s7], [sflag:s6] =	dma.local [spmem:s10], $0x50  }
0x34: {  	_ =	swait.ge [sflag:s11], $0x50  }
0x35: {  	[sflag:s11] =	ssyncset.done $0x0  }
0x36: {  	[sflag:s11] =	ssyncadd.s32 $0xFFFFFFB0  }
0x37: {  	_ =	sfence.sel $0x180000  }
0x38: {  	[bflag:$0x0] =	sbarrier.arrive $0xFFFF  }
0x39: {  	p0 =	sne.s32 s1, $0x0;
	_ =	strace $0x90000047  }
0x3a: {  	s0 =	sadd.s32 @!p0 $0x100000, s0;
	[bflag:$0x2] =	sbarrier.arrive $0xFFFF  }
0x3b: {  	[sflag:s0] =	ssyncadd.tile.s32 @!p0 $0x1;
	_ =	shalt  }
.Lfunc_end2:
_tile_overlayer_lowered:
.L_overlay_start_2:
0x3c: {  	(tag) =	ssettag $0x2  }
0x3d: {  	s0 =	rddreg [dreg:$0x0];
	s2 =	stileid.u32  }
0x3e: {  	s1 =	rddreg [dreg:$0x1];
	p0 =	sne.s32 s2, $0x0  }
0x3f: {  	s3 =	rddreg [dreg:$0x2];
	[bflag:$0x3] =	sbarrier.arrive $0xFFFF;
	s2 =	simm.s32 @!p0 $0x1C01  }
0x40: {  	[timem:s3], [sflag:s2] =	dma.local @!p0 [hbm:s0], s1  }
0x41: {  	s0 =	simm.s32 @!p0 $0x1  }
0x42: {  	_ =	swait.ge @!p0 [sflag:s0], s1  }
0x43: {  	s1 =	ssub.s32 @!p0 $0x0, s1;
	[sflag:s0] =	ssyncset.done @!p0 $0x0  }
0x44: {  	[sflag:s0] =	ssyncadd.s32 @!p0 s1  }
0x45: {  	[bflag:$0x3] =	sbarrier.arrive $0xFFFF  }
0x46: {  	_ =	shalt  }

</sc_bundles>
